<compile_context>
chip_gen: v7x
topology: tpu7x:2x2x1
jax: 0.10.2.dev20260603
libtpu: 0.0.44.dev20260713+nightly
codegen_flags: <defaults>
</compile_context>

<pallas_src>
import jax
import jax.numpy as jnp
from jax import lax
from jax.experimental import pallas as pl
from jax.experimental.pallas import tpu as pltpu
from jax.experimental.pallas import tpu_sc as plsc

_SC_CORES = 2
_SC_SUBCORES = 16


def _sc_gather(vert_tab, pidx, tri_tab, tidx):
    NW = _SC_CORES * _SC_SUBCORES
    NP, NT = pidx.shape[0], tidx.shape[0]
    npw, ntw = NP // NW, NT // NW
    Dp, Dt = vert_tab.shape[1], tri_tab.shape[1]

    mesh = plsc.VectorSubcoreMesh(
        core_axis_name="c", subcore_axis_name="s",
        num_cores=_SC_CORES, num_subcores=_SC_SUBCORES)

    def body(vert_hbm, pidx_hbm, tri_hbm, tidx_hbm, out_p, out_t,
             pidx_v, prow_v, tidx_v, trow_v, sem):
        wid = lax.axis_index("s") * _SC_CORES + lax.axis_index("c")
        pb = wid * npw
        tb = wid * ntw
        pltpu.sync_copy(pidx_hbm.at[pl.ds(pb, npw)], pidx_v)
        pltpu.sync_copy(tidx_hbm.at[pl.ds(tb, ntw)], tidx_v)
        cp1 = pltpu.async_copy(vert_hbm.at[pidx_v], prow_v, sem)
        cp2 = pltpu.async_copy(tri_hbm.at[tidx_v], trow_v, sem)
        cp1.wait()
        cp2.wait()
        pltpu.sync_copy(prow_v, out_p.at[pl.ds(pb, npw)])
        pltpu.sync_copy(trow_v, out_t.at[pl.ds(tb, ntw)])

    fn = pl.kernel(
        body,
        out_type=[jax.ShapeDtypeStruct((NP, Dp), jnp.float32),
                  jax.ShapeDtypeStruct((NT, Dt), jnp.float32)],
        mesh=mesh,
        scratch_types=[
            pltpu.VMEM((npw,), jnp.int32),
            pltpu.VMEM((npw, Dp), jnp.float32),
            pltpu.VMEM((ntw,), jnp.int32),
            pltpu.VMEM((ntw, Dt), jnp.float32),
            pltpu.SemaphoreType.DMA,
        ],
        compiler_params=pltpu.CompilerParams(use_tc_tiling_on_sc=False),
    )
    return fn(vert_tab, pidx, tri_tab, tidx)


def _cross(a, b):
    return [a[1] * b[2] - a[2] * b[1],
            a[2] * b[0] - a[0] * b[2],
            a[0] * b[1] - a[1] * b[0]]


def _dot3(a, b):
    return a[0] * b[0] + a[1] * b[1] + a[2] * b[2]


def _mm(W, x):
    return lax.dot_general(W, x, (((0,), (0,)), ((), ())),
                           preferred_element_type=jnp.float32)


def _tc_body(qt_ref, pnp_ref, tri_ref, tprob_ref,
             pw1, pb1, pw2, pb2, pw3, pb3,
             tw1, tb1, tw2, tb2, tw3, tb3,
             gw1, gb1, gw2, gb2, gw3, gb3,
             out_ref):
    G = qt_ref.shape[1]
    K = pnp_ref.shape[0] // 3
    KT = tprob_ref.shape[0]
    NT3 = 3 * KT
    EPS = 1e-6

    q = [[qt_ref[v * 3 + c: v * 3 + c + 1, :] for c in range(3)]
         for v in range(3)]
    center = [(q[0][c] + q[1][c] + q[2][c]) * (1.0 / 3.0) for c in range(3)]
    dsts = [jnp.sqrt(sum((q[v][c] - center[c]) ** 2 for c in range(3)))
            for v in range(3)]
    scale = (dsts[0] + dsts[1] + dsts[2]) * (1.0 / 3.0) + 1e-5
    inv_s = 1.0 / scale
    qs = [[q[v][c] * inv_s for c in range(3)] for v in range(3)]

    e1 = [qs[1][c] - qs[0][c] for c in range(3)]
    e2 = [qs[2][c] - qs[0][c] for c in range(3)]
    an = [0.5 * x for x in _cross(e1, e2)]
    areas = jnp.sqrt(_dot3(an, an)) + EPS
    inv_areas = 1.0 / areas
    n = [an[c] * inv_areas for c in range(3)]
    bary = [(qs[0][c] + qs[1][c] + qs[2][c]) * (1.0 / 3.0) for c in range(3)]
    bX = [e1[c] / jnp.sqrt(_dot3(e1, e1)) for c in range(3)]
    bYr = _cross(n, bX)
    bY = [bYr[c] / jnp.sqrt(_dot3(bYr, bYr)) for c in range(3)]

    def coords(p):
        cen = [p[c] - bary[c] for c in range(3)]
        nc = _dot3(n, cen)
        pla = [p[c] - n[c] * nc for c in range(3)]
        us = []
        for i in range(3):
            va = [qs[(i + 1) % 3][c] - pla[c] for c in range(3)]
            vb = [qs[(i + 2) % 3][c] - pla[c] for c in range(3)]
            pa = 0.5 * _dot3(n, _cross(va, vb))
            us.append(jnp.clip((pa + EPS / 3.0) * inv_areas, -5.0, 5.0))
        return [_dot3(bX, cen), _dot3(bY, cen), nc] + us

    p = [pnp_ref[c * K:(c + 1) * K, :] * inv_s for c in range(3)]
    pcoord = coords(p)
    A_p = jnp.concatenate([f.reshape(1, K * G) for f in pcoord], axis=0)
    h = jnp.maximum(_mm(pw1[...], A_p) + pb1[...], 0.0)
    h = jnp.maximum(_mm(pw2[...], h) + pb2[...], 0.0)
    h = _mm(pw3[...], h)
    pf = h[:, 0:G]
    for k in range(1, K):
        pf = jnp.maximum(pf, h[:, k * G:(k + 1) * G])
    pf = pf + pb3[...]

    t = [tri_ref[c * NT3:(c + 1) * NT3, :] * inv_s for c in range(3)]
    tcoord = coords(t)
    mn = [jnp.minimum(jnp.minimum(f[0:KT], f[KT:2 * KT]), f[2 * KT:3 * KT])
          for f in tcoord]
    mx = [jnp.maximum(jnp.maximum(f[0:KT], f[KT:2 * KT]), f[2 * KT:3 * KT])
          for f in tcoord]
    feats = mn + mx + [tprob_ref[...]]
    A_t = jnp.concatenate([f.reshape(1, KT * G) for f in feats], axis=0)
    ht = jnp.maximum(_mm(tw1[...], A_t) + tb1[...], 0.0)
    ht = jnp.maximum(_mm(tw2[...], ht) + tb2[...], 0.0)
    ht = _mm(tw3[...], ht)
    tf = ht[:, 0:G]
    for k in range(1, KT):
        tf = jnp.maximum(tf, ht[:, k * G:(k + 1) * G])
    tf = tf + tb3[...]

    maxf = jnp.concatenate([pf, tf], axis=0)
    g = jnp.maximum(_mm(gw1[...], maxf) + gb1[...], 0.0)
    g = jnp.maximum(_mm(gw2[...], g) + gb2[...], 0.0)
    g = _mm(gw3[...], g) + gb3[...]
    out = jax.nn.sigmoid(g)
    out_ref[...] = (1.0 - 1e-4) * out + 1e-4 * 0.5


def _prep_operands(query_triangle_pos, pnp_rows, tri_rows, params):
    B, Q = query_triangle_pos.shape[:2]
    BQ = B * Q
    K = pnp_rows.shape[0] // BQ
    KT = tri_rows.shape[0] // BQ

    qt_t = query_triangle_pos.reshape(BQ, 9).T
    pnp_t = (pnp_rows[:, :3].reshape(BQ, K, 3)
             .transpose(2, 1, 0).reshape(3 * K, BQ))
    tri_t = (tri_rows[:, :9].reshape(BQ, KT, 3, 3)
             .transpose(3, 2, 1, 0).reshape(9 * KT, BQ))
    tprob_t = tri_rows[:, 9].reshape(BQ, KT).T

    weights = []
    for name in ("pc", "tc", "gc"):
        for (W, b) in params[name]:
            weights.append(W)
            weights.append(b.reshape(-1, 1))
    return qt_t, pnp_t, tri_t, tprob_t, weights


def _tc_call(qt_t, pnp_t, tri_t, tprob_t, weights, G):
    BQ = qt_t.shape[1]
    grid = (BQ // G,)

    def blk(r):
        return pl.BlockSpec((r, G), lambda i: (0, i))

    w_specs = [pl.BlockSpec(w.shape, lambda i: (0, 0)) for w in weights]
    return pl.pallas_call(
        _tc_body,
        grid=grid,
        in_specs=[blk(qt_t.shape[0]), blk(pnp_t.shape[0]),
                  blk(tri_t.shape[0]), blk(tprob_t.shape[0])] + w_specs,
        out_specs=pl.BlockSpec((1, G), lambda i: (0, i)),
        out_shape=jax.ShapeDtypeStruct((1, BQ), jnp.float32),
    )(qt_t, pnp_t, tri_t, tprob_t, *weights)


def kernel(verts, all_triangle_pos, all_triangle_prob, query_triangle_pos,
           query_triangle_ind, query_triangle_prob, point_neighbor_ind,
           face_neighbor_ind, preds_per_side, params):
    f32 = jnp.float32
    B, V = verts.shape[:2]
    T = all_triangle_prob.shape[1]
    Q, K = point_neighbor_ind.shape[1:]
    KT = face_neighbor_ind.shape[2]
    BQ = B * Q

    vert_tab = jnp.concatenate(
        [verts.reshape(B * V, 3), jnp.zeros((B * V, 5), f32)], axis=1)
    tri_tab = jnp.concatenate(
        [all_triangle_pos.reshape(B * T, 9),
         all_triangle_prob.reshape(B * T, 1),
         jnp.zeros((B * T, 6), f32)], axis=1)
    boff_v = (jnp.arange(B, dtype=jnp.int32) * V)[:, None, None]
    boff_t = (jnp.arange(B, dtype=jnp.int32) * T)[:, None, None]
    pidx = (point_neighbor_ind.astype(jnp.int32) + boff_v).reshape(-1)
    tidx = (face_neighbor_ind.astype(jnp.int32) + boff_t).reshape(-1)

    pnp_rows, tri_rows = _sc_gather(vert_tab, pidx, tri_tab, tidx)

    qt_t, pnp_t, tri_t, tprob_t, weights = _prep_operands(
        query_triangle_pos, pnp_rows, tri_rows, params)

    out = _tc_call(qt_t, pnp_t, tri_t, tprob_t, weights, G=128)

    out = out.reshape(B, Q)
    return jnp.where(jnp.isnan(out), jnp.nanmean(out), out)

# --- scband reference (transcript-rebuilt; emitter-appended) ---
"""Pipeline reference for scband-point-tri-net-38517266710618 (READ-ONLY COPY).

The authoritative reference and input builder live on the scoring server;
editing this copy changes nothing except your own understanding.
"""

import jax, jax.numpy as jnp
import numpy as np


def _norm(x):
    return jnp.linalg.norm(x, axis=-1)


def _normalize(x):
    return x / _norm(x)[..., None]


def generate_coords(points_pos, qt):
    EPS = 1e-06
    area_normals = 0.5 * jnp.cross(qt[:, :, 1, :] - qt[:, :, 0, :], qt[:, :, 2, :] - qt[:, :, 0, :])
    areas = _norm(area_normals) + EPS
    normals = area_normals / areas[..., None]
    barycenters = jnp.mean(qt, axis=2)
    centered = points_pos - barycenters[:, :, None, :]
    normal_comp = jnp.sum(normals[:, :, None, :] * centered, axis=-1)
    planar = points_pos - normals[:, :, None, :] * normal_comp[..., None]

    def coords_i(i):
        pa = 0.5 * jnp.sum(normals[:, :, None, :] * jnp.cross(qt[:, :, (i + 1) % 3, :][:, :, None, :] - planar, qt[:, :, (i + 2) % 3, :][:, :, None, :] - planar), axis=-1)
        return (pa + EPS / 3.0) / areas[:, :, None]

    BARY_MAX = 5.0
    u = jnp.clip(coords_i(0), -BARY_MAX, BARY_MAX)
    v = jnp.clip(coords_i(1), -BARY_MAX, BARY_MAX)
    w = jnp.clip(coords_i(2), -BARY_MAX, BARY_MAX)
    basisX = _normalize(qt[:, :, 1, :] - qt[:, :, 0, :])
    basisY = _normalize(jnp.cross(normals, basisX))
    x_comp = jnp.sum(basisX[:, :, None, :] * centered, axis=-1)
    y_comp = jnp.sum(basisY[:, :, None, :] * centered, axis=-1)
    return jnp.stack((x_comp, y_comp, normal_comp, u, v, w), axis=-1)


def encode_points_and_triangles(qt, nearby_points, nearby_tris, tri_probs):
    B, Q = qt.shape[0], qt.shape[1]
    KT = nearby_tris.shape[2]
    centers = jnp.mean(qt, axis=2)
    scales = jnp.mean(_norm(qt - centers[:, :, None, :]), axis=-1) + 1e-05
    npts = nearby_points / scales[:, :, None, None]
    qts = qt / scales[:, :, None, None]
    nts = nearby_tris / scales[:, :, None, None, None]
    point_coords = generate_coords(npts, qts)
    tri_coords = generate_coords(nts.reshape(B, Q, KT * 3, 3), qts).reshape(B, Q, KT, 3, 6)
    mx = jnp.max(tri_coords, axis=3)
    mn = jnp.min(tri_coords, axis=3)
    triangle_coords = jnp.concatenate((mn, mx, tri_probs[..., None]), axis=-1)
    return point_coords, triangle_coords


def mlp(layers, x):
    n = len(layers)
    for i, (W, b) in enumerate(layers):
        x = x @ W + b
        if i < n - 1:
            x = jax.nn.relu(x)
    return x


def _init_mlp(key, dims):
    layers = []
    for i in range(len(dims) - 1):
        key, k1 = jax.random.split(key)
        W = jax.random.normal(k1, (dims[i], dims[i + 1]), dtype=jnp.float32) * (1.0 / np.sqrt(dims[i]))
        b = jnp.zeros((dims[i + 1],), jnp.float32)
        layers.append((W, b))
    return key, layers


def setup_inputs(seed: int = 0) -> dict:
    key = jax.random.key(seed)
    ks = jax.random.split(key, 9)
    B, Q, K, KT, V, T = 2, 512, 32, 16, 50000, 20000
    verts = jax.random.normal(ks[0], (B, V, 3), dtype=jnp.float32)
    all_triangle_pos = jax.random.normal(ks[1], (B, T, 3, 3), dtype=jnp.float32)
    all_triangle_prob = jax.random.uniform(ks[2], (B, T), dtype=jnp.float32)
    query_triangle_pos = jax.random.normal(ks[3], (B, Q, 3, 3), dtype=jnp.float32)
    query_triangle_ind = jax.random.randint(ks[4], (B, Q, 3), 0, V)
    query_triangle_prob = jax.random.uniform(ks[5], (B, Q), dtype=jnp.float32)
    point_neighbor_ind = jax.random.randint(ks[6], (B, Q, K), 0, V)
    face_neighbor_ind = jax.random.randint(ks[7], (B, Q, KT), 0, T)
    pkey = ks[8]
    pkey, pc = _init_mlp(pkey, [6, 64, 128, 1024])
    pkey, tc = _init_mlp(pkey, [13, 64, 128, 1024])
    pkey, gc = _init_mlp(pkey, [2048, 512, 256, 1])
    params = {'pc': pc, 'tc': tc, 'gc': gc}
    return {'verts': verts, 'all_triangle_pos': all_triangle_pos, 'all_triangle_prob': all_triangle_prob, 'query_triangle_pos': query_triangle_pos, 'query_triangle_ind': query_triangle_ind, 'query_triangle_prob': query_triangle_prob, 'point_neighbor_ind': point_neighbor_ind, 'face_neighbor_ind': face_neighbor_ind, 'preds_per_side': 4, 'params': params}


def _forward(verts, all_triangle_pos, all_triangle_prob, query_triangle_pos, point_neighbor_ind, face_neighbor_ind, params):
    pnp = jax.vmap(lambda v, i: v[i])(verts, point_neighbor_ind)
    fnprobs = jax.vmap(lambda p, i: p[i])(all_triangle_prob, face_neighbor_ind)
    fnpos = jax.vmap(lambda t, i: t[i])(all_triangle_pos, face_neighbor_ind)
    point_coords, tri_coords = encode_points_and_triangles(query_triangle_pos, pnp[..., :3], fnpos, fnprobs)
    pf = mlp(params['pc'], point_coords)
    pf_max = jnp.max(pf, axis=2)
    tf = mlp(params['tc'], tri_coords)
    tf_max = jnp.max(tf, axis=2)
    maxf = jnp.concatenate((pf_max, tf_max), axis=-1)
    g = mlp(params['gc'], maxf)
    out = jax.nn.sigmoid(g[..., 0])
    EPS = 0.0001
    out = (1.0 - EPS) * out + EPS * 0.5
    out = jnp.where(jnp.isnan(out), jnp.nanmean(out), out)
    return out


def reference(verts, all_triangle_pos, all_triangle_prob, query_triangle_pos, query_triangle_ind, query_triangle_prob, point_neighbor_ind, face_neighbor_ind, preds_per_side, params):
    return _forward(verts, all_triangle_pos, all_triangle_prob, query_triangle_pos, point_neighbor_ind, face_neighbor_ind, params)

if __name__ == "__main__":
    import jax
    _d = setup_inputs()
    print(jax.jit(kernel)(*tuple(_d.values())))

</pallas_src>

<mosaic_0001>
#map = affine_map<(d0, d1) -> (0, 0)>
#map1 = affine_map<(d0, d1) -> (0)>
module attributes {stable_mosaic.version = 14 : i64} {
  func.func @body(%arg0: i32, %arg1: i32, %arg2: memref<100000x8xf32, #tpu.memory_space<hbm>>, %arg3: memref<32768xi32, #tpu.memory_space<hbm>>, %arg4: memref<40000x16xf32, #tpu.memory_space<hbm>>, %arg5: memref<16384xi32, #tpu.memory_space<hbm>>, %arg6: memref<32768x8xf32, #tpu.memory_space<hbm>>, %arg7: memref<16384x16xf32, #tpu.memory_space<hbm>>, %arg8: memref<1024xi32, #tpu.memory_space<vmem>>, %arg9: memref<1024x8xf32, #tpu.memory_space<vmem>>, %arg10: memref<512xi32, #tpu.memory_space<vmem>>, %arg11: memref<512x16xf32, #tpu.memory_space<vmem>>, %arg12: memref<!tpu.dma_semaphore, #tpu.memory_space<semaphore_mem>>) attributes {dimension_semantics = [#tpu.dimension_semantics<core_parallel>, #tpu.dimension_semantics<subcore_parallel>], iteration_bounds = array<i64: 2, 16>, scalar_prefetch = 0 : i64, scratch_operands = 5 : i64, tpu.core_type = #tpu.core_type<sc_vector_subcore>, window_params = [{transform_indices = #map}, {transform_indices = #map1}, {transform_indices = #map}, {transform_indices = #map1}, {transform_indices = #map}, {transform_indices = #map}]} {
    %mul3A = arith.constant 2 : i32
    %mul3A_0 = arith.muli %arg1, %mul3A : i32
    %add3A = arith.addi %mul3A_0, %arg0 : i32
    %mul3A_1 = arith.constant 1024 : i32
    %mul3A_2 = arith.muli %add3A, %mul3A_1 : i32
    %mul3A_3 = arith.constant 512 : i32
    %mul3A_4 = arith.muli %add3A, %mul3A_3 : i32
    "tpu.region"() ({
      %run_scoped3A = tpu.sem_alloc : memref<!tpu.dma_semaphore, #tpu.memory_space<semaphore_mem>>
      %dma_start3A_15 = tpu.memref_slice %arg3[%mul3A_2] : memref<32768xi32, #tpu.memory_space<hbm>> -> memref<1024xi32, #tpu.memory_space<hbm>>
      %dma_start3A_16 = tpu.memref_slice %arg3[%mul3A_2] : memref<32768xi32, #tpu.memory_space<hbm>> -> memref<1024xi32, #tpu.memory_space<hbm>>
      tpu.enqueue_dma source(%dma_start3A_16 : memref<1024xi32, #tpu.memory_space<hbm>>) target(%arg8 : memref<1024xi32, #tpu.memory_space<vmem>>) target_semaphore(%run_scoped3A : memref<!tpu.dma_semaphore, #tpu.memory_space<semaphore_mem>>)
      %dma_wait3A_17 = tpu.memref_slice %arg3[%mul3A_2] : memref<32768xi32, #tpu.memory_space<hbm>> -> memref<1024xi32, #tpu.memory_space<hbm>>
      %dma_wait3A_18 = tpu.memref_slice %arg3[%mul3A_2] : memref<32768xi32, #tpu.memory_space<hbm>> -> memref<1024xi32, #tpu.memory_space<hbm>>
      tpu.wait_dma2 semaphore(%run_scoped3A : memref<!tpu.dma_semaphore, #tpu.memory_space<semaphore_mem>>) src(%dma_wait3A_18 : memref<1024xi32, #tpu.memory_space<hbm>>) dst(%arg8 : memref<1024xi32, #tpu.memory_space<vmem>>)
      tpu.yield
    }) : () -> ()
    "tpu.region"() ({
      %run_scoped3A = tpu.sem_alloc : memref<!tpu.dma_semaphore, #tpu.memory_space<semaphore_mem>>
      %dma_start3A_15 = tpu.memref_slice %arg5[%mul3A_4] : memref<16384xi32, #tpu.memory_space<hbm>> -> memref<512xi32, #tpu.memory_space<hbm>>
      %dma_start3A_16 = tpu.memref_slice %arg5[%mul3A_4] : memref<16384xi32, #tpu.memory_space<hbm>> -> memref<512xi32, #tpu.memory_space<hbm>>
      tpu.enqueue_dma source(%dma_start3A_16 : memref<512xi32, #tpu.memory_space<hbm>>) target(%arg10 : memref<512xi32, #tpu.memory_space<vmem>>) target_semaphore(%run_scoped3A : memref<!tpu.dma_semaphore, #tpu.memory_space<semaphore_mem>>)
      %dma_wait3A_17 = tpu.memref_slice %arg5[%mul3A_4] : memref<16384xi32, #tpu.memory_space<hbm>> -> memref<512xi32, #tpu.memory_space<hbm>>
      %dma_wait3A_18 = tpu.memref_slice %arg5[%mul3A_4] : memref<16384xi32, #tpu.memory_space<hbm>> -> memref<512xi32, #tpu.memory_space<hbm>>
      tpu.wait_dma2 semaphore(%run_scoped3A : memref<!tpu.dma_semaphore, #tpu.memory_space<semaphore_mem>>) src(%dma_wait3A_18 : memref<512xi32, #tpu.memory_space<hbm>>) dst(%arg10 : memref<512xi32, #tpu.memory_space<vmem>>)
      tpu.yield
    }) : () -> ()
    %dma_start3A = arith.constant 0 : i32
    %dma_start3A_5 = arith.constant 0 : i32
    %dma_start3A_6 = tpu.memref_slice %arg2[%dma_start3A, %dma_start3A_5] : memref<100000x8xf32, #tpu.memory_space<hbm>> -> memref<100000x8xf32, #tpu.memory_space<hbm>>
    tpu.enqueue_indirect_dma source(%dma_start3A_6 : memref<100000x8xf32, #tpu.memory_space<hbm>>) target(%arg9 : memref<1024x8xf32, #tpu.memory_space<vmem>>) offsets(%arg8 : memref<1024xi32, #tpu.memory_space<vmem>>) semaphore(%arg12 : memref<!tpu.dma_semaphore, #tpu.memory_space<semaphore_mem>>)
    %dma_start3A_7 = arith.constant 0 : i32
    %dma_start3A_8 = arith.constant 0 : i32
    %dma_start3A_9 = tpu.memref_slice %arg4[%dma_start3A_7, %dma_start3A_8] : memref<40000x16xf32, #tpu.memory_space<hbm>> -> memref<40000x16xf32, #tpu.memory_space<hbm>>
    tpu.enqueue_indirect_dma source(%dma_start3A_9 : memref<40000x16xf32, #tpu.memory_space<hbm>>) target(%arg11 : memref<512x16xf32, #tpu.memory_space<vmem>>) offsets(%arg10 : memref<512xi32, #tpu.memory_space<vmem>>) semaphore(%arg12 : memref<!tpu.dma_semaphore, #tpu.memory_space<semaphore_mem>>)
    %dma_wait3A = arith.constant 0 : i32
    %dma_wait3A_10 = arith.constant 0 : i32
    %dma_wait3A_11 = tpu.memref_slice %arg2[%dma_wait3A, %dma_wait3A_10] : memref<100000x8xf32, #tpu.memory_space<hbm>> -> memref<100000x8xf32, #tpu.memory_space<hbm>>
    tpu.wait_indirect_dma semaphore(%arg12 : memref<!tpu.dma_semaphore, #tpu.memory_space<semaphore_mem>>) src(%dma_wait3A_11 : memref<100000x8xf32, #tpu.memory_space<hbm>>) dst(%arg9 : memref<1024x8xf32, #tpu.memory_space<vmem>>)
    %dma_wait3A_12 = arith.constant 0 : i32
    %dma_wait3A_13 = arith.constant 0 : i32
    %dma_wait3A_14 = tpu.memref_slice %arg4[%dma_wait3A_12, %dma_wait3A_13] : memref<40000x16xf32, #tpu.memory_space<hbm>> -> memref<40000x16xf32, #tpu.memory_space<hbm>>
    tpu.wait_indirect_dma semaphore(%arg12 : memref<!tpu.dma_semaphore, #tpu.memory_space<semaphore_mem>>) src(%dma_wait3A_14 : memref<40000x16xf32, #tpu.memory_space<hbm>>) dst(%arg11 : memref<512x16xf32, #tpu.memory_space<vmem>>)
    "tpu.region"() ({
      %run_scoped3A = tpu.sem_alloc : memref<!tpu.dma_semaphore, #tpu.memory_space<semaphore_mem>>
      %dma_start3A_15 = arith.constant 0 : i32
      %dma_start3A_16 = tpu.memref_slice %arg6[%mul3A_2, %dma_start3A_15] : memref<32768x8xf32, #tpu.memory_space<hbm>> -> memref<1024x8xf32, #tpu.memory_space<hbm>>
      %dma_start3A_17 = arith.constant 0 : i32
      %dma_start3A_18 = tpu.memref_slice %arg6[%mul3A_2, %dma_start3A_17] : memref<32768x8xf32, #tpu.memory_space<hbm>> -> memref<1024x8xf32, #tpu.memory_space<hbm>>
      tpu.enqueue_dma source(%arg9 : memref<1024x8xf32, #tpu.memory_space<vmem>>) target(%dma_start3A_18 : memref<1024x8xf32, #tpu.memory_space<hbm>>) target_semaphore(%run_scoped3A : memref<!tpu.dma_semaphore, #tpu.memory_space<semaphore_mem>>)
      %dma_wait3A_19 = arith.constant 0 : i32
      %dma_wait3A_20 = tpu.memref_slice %arg6[%mul3A_2, %dma_wait3A_19] : memref<32768x8xf32, #tpu.memory_space<hbm>> -> memref<1024x8xf32, #tpu.memory_space<hbm>>
      %dma_wait3A_21 = arith.constant 0 : i32
      %dma_wait3A_22 = tpu.memref_slice %arg6[%mul3A_2, %dma_wait3A_21] : memref<32768x8xf32, #tpu.memory_space<hbm>> -> memref<1024x8xf32, #tpu.memory_space<hbm>>
      tpu.wait_dma2 semaphore(%run_scoped3A : memref<!tpu.dma_semaphore, #tpu.memory_space<semaphore_mem>>) src(%arg9 : memref<1024x8xf32, #tpu.memory_space<vmem>>) dst(%dma_wait3A_22 : memref<1024x8xf32, #tpu.memory_space<hbm>>)
      tpu.yield
    }) : () -> ()
    "tpu.region"() ({
      %run_scoped3A = tpu.sem_alloc : memref<!tpu.dma_semaphore, #tpu.memory_space<semaphore_mem>>
      %dma_start3A_15 = arith.constant 0 : i32
      %dma_start3A_16 = tpu.memref_slice %arg7[%mul3A_4, %dma_start3A_15] : memref<16384x16xf32, #tpu.memory_space<hbm>> -> memref<512x16xf32, #tpu.memory_space<hbm>>
      %dma_start3A_17 = arith.constant 0 : i32
      %dma_start3A_18 = tpu.memref_slice %arg7[%mul3A_4, %dma_start3A_17] : memref<16384x16xf32, #tpu.memory_space<hbm>> -> memref<512x16xf32, #tpu.memory_space<hbm>>
      tpu.enqueue_dma source(%arg11 : memref<512x16xf32, #tpu.memory_space<vmem>>) target(%dma_start3A_18 : memref<512x16xf32, #tpu.memory_space<hbm>>) target_semaphore(%run_scoped3A : memref<!tpu.dma_semaphore, #tpu.memory_space<semaphore_mem>>)
      %dma_wait3A_19 = arith.constant 0 : i32
      %dma_wait3A_20 = tpu.memref_slice %arg7[%mul3A_4, %dma_wait3A_19] : memref<16384x16xf32, #tpu.memory_space<hbm>> -> memref<512x16xf32, #tpu.memory_space<hbm>>
      %dma_wait3A_21 = arith.constant 0 : i32
      %dma_wait3A_22 = tpu.memref_slice %arg7[%mul3A_4, %dma_wait3A_21] : memref<16384x16xf32, #tpu.memory_space<hbm>> -> memref<512x16xf32, #tpu.memory_space<hbm>>
      tpu.wait_dma2 semaphore(%run_scoped3A : memref<!tpu.dma_semaphore, #tpu.memory_space<semaphore_mem>>) src(%arg11 : memref<512x16xf32, #tpu.memory_space<vmem>>) dst(%dma_wait3A_22 : memref<512x16xf32, #tpu.memory_space<hbm>>)
      tpu.yield
    }) : () -> ()
    return
  }
}

module attributes {stable_mosaic.version = 14 : i64} {
  func.func @_tc_body(%arg0: i32, %arg1: memref<9x128xf32, #tpu.memory_space<vmem>>, %arg2: memref<96x128xf32, #tpu.memory_space<vmem>>, %arg3: memref<144x128xf32, #tpu.memory_space<vmem>>, %arg4: memref<16x128xf32, #tpu.memory_space<vmem>>, %arg5: memref<6x64xf32, #tpu.memory_space<vmem>>, %arg6: memref<64x1xf32, #tpu.memory_space<vmem>>, %arg7: memref<64x128xf32, #tpu.memory_space<vmem>>, %arg8: memref<128x1xf32, #tpu.memory_space<vmem>>, %arg9: memref<128x1024xf32, #tpu.memory_space<vmem>>, %arg10: memref<1024x1xf32, #tpu.memory_space<vmem>>, %arg11: memref<13x64xf32, #tpu.memory_space<vmem>>, %arg12: memref<64x1xf32, #tpu.memory_space<vmem>>, %arg13: memref<64x128xf32, #tpu.memory_space<vmem>>, %arg14: memref<128x1xf32, #tpu.memory_space<vmem>>, %arg15: memref<128x1024xf32, #tpu.memory_space<vmem>>, %arg16: memref<1024x1xf32, #tpu.memory_space<vmem>>, %arg17: memref<2048x512xf32, #tpu.memory_space<vmem>>, %arg18: memref<512x1xf32, #tpu.memory_space<vmem>>, %arg19: memref<512x256xf32, #tpu.memory_space<vmem>>, %arg20: memref<256x1xf32, #tpu.memory_space<vmem>>, %arg21: memref<256x1xf32, #tpu.memory_space<vmem>>, %arg22: memref<1x1xf32, #tpu.memory_space<vmem>>, %arg23: memref<1x128xf32, #tpu.memory_space<vmem>>) attributes {dimension_semantics = [#tpu.dimension_semantics<arbitrary>], iteration_bounds = array<i64: 8>, scalar_prefetch = 0 : i64, scratch_operands = 0 : i64, tpu.core_type = #tpu.core_type<tc>, window_params = [{transform_indices = @transform_0, window_bounds = array<i64: 9, 128>}, {transform_indices = @transform_1, window_bounds = array<i64: 96, 128>}, {transform_indices = @transform_2, window_bounds = array<i64: 144, 128>}, {transform_indices = @transform_3, window_bounds = array<i64: 16, 128>}, {pipeline_mode = #tpu.pipeline_mode<synchronous>, transform_indices = @transform_4, window_bounds = array<i64: 6, 64>}, {pipeline_mode = #tpu.pipeline_mode<synchronous>, transform_indices = @transform_5, window_bounds = array<i64: 64, 1>}, {pipeline_mode = #tpu.pipeline_mode<synchronous>, transform_indices = @transform_6, window_bounds = array<i64: 64, 128>}, {pipeline_mode = #tpu.pipeline_mode<synchronous>, transform_indices = @transform_7, window_bounds = array<i64: 128, 1>}, {pipeline_mode = #tpu.pipeline_mode<synchronous>, transform_indices = @transform_8, window_bounds = array<i64: 128, 1024>}, {pipeline_mode = #tpu.pipeline_mode<synchronous>, transform_indices = @transform_9, window_bounds = array<i64: 1024, 1>}, {pipeline_mode = #tpu.pipeline_mode<synchronous>, transform_indices = @transform_10, window_bounds = array<i64: 13, 64>}, {pipeline_mode = #tpu.pipeline_mode<synchronous>, transform_indices = @transform_11, window_bounds = array<i64: 64, 1>}, {pipeline_mode = #tpu.pipeline_mode<synchronous>, transform_indices = @transform_12, window_bounds = array<i64: 64, 128>}, {pipeline_mode = #tpu.pipeline_mode<synchronous>, transform_indices = @transform_13, window_bounds = array<i64: 128, 1>}, {pipeline_mode = #tpu.pipeline_mode<synchronous>, transform_indices = @transform_14, window_bounds = array<i64: 128, 1024>}, {pipeline_mode = #tpu.pipeline_mode<synchronous>, transform_indices = @transform_15, window_bounds = array<i64: 1024, 1>}, {pipeline_mode = #tpu.pipeline_mode<synchronous>, transform_indices = @transform_16, window_bounds = array<i64: 2048, 512>}, {pipeline_mode = #tpu.pipeline_mode<synchronous>, transform_indices = @transform_17, window_bounds = array<i64: 512, 1>}, {pipeline_mode = #tpu.pipeline_mode<synchronous>, transform_indices = @transform_18, window_bounds = array<i64: 512, 256>}, {pipeline_mode = #tpu.pipeline_mode<synchronous>, transform_indices = @transform_19, window_bounds = array<i64: 256, 1>}, {pipeline_mode = #tpu.pipeline_mode<synchronous>, transform_indices = @transform_20, window_bounds = array<i64: 256, 1>}, {pipeline_mode = #tpu.pipeline_mode<synchronous>, transform_indices = @transform_21, window_bounds = array<i64: 1, 1>}, {transform_indices = @transform_22, window_bounds = array<i64: 1, 128>}]} {
    %get3A = arith.constant 0 : index
    %get3A_0 = arith.constant 0 : index
    %get3A_1 = vector.load %arg1[%get3A, %get3A_0] : memref<9x128xf32, #tpu.memory_space<vmem>>, vector<1x128xf32>
    %get3A_2 = arith.constant 1 : index
    %get3A_3 = arith.constant 0 : index
    %get3A_4 = vector.load %arg1[%get3A_2, %get3A_3] : memref<9x128xf32, #tpu.memory_space<vmem>>, vector<1x128xf32>
    %get3A_5 = arith.constant 2 : index
    %get3A_6 = arith.constant 0 : index
    %get3A_7 = vector.load %arg1[%get3A_5, %get3A_6] : memref<9x128xf32, #tpu.memory_space<vmem>>, vector<1x128xf32>
    %get3A_8 = arith.constant 3 : index
    %get3A_9 = arith.constant 0 : index
    %get3A_10 = vector.load %arg1[%get3A_8, %get3A_9] : memref<9x128xf32, #tpu.memory_space<vmem>>, vector<1x128xf32>
    %get3A_11 = arith.constant 4 : index
    %get3A_12 = arith.constant 0 : index
    %get3A_13 = vector.load %arg1[%get3A_11, %get3A_12] : memref<9x128xf32, #tpu.memory_space<vmem>>, vector<1x128xf32>
    %get3A_14 = arith.constant 5 : index
    %get3A_15 = arith.constant 0 : index
    %get3A_16 = vector.load %arg1[%get3A_14, %get3A_15] : memref<9x128xf32, #tpu.memory_space<vmem>>, vector<1x128xf32>
    %get3A_17 = arith.constant 6 : index
    %get3A_18 = arith.constant 0 : index
    %get3A_19 = vector.load %arg1[%get3A_17, %get3A_18] : memref<9x128xf32, #tpu.memory_space<vmem>>, vector<1x128xf32>
    %get3A_20 = arith.constant 7 : index
    %get3A_21 = arith.constant 0 : index
    %get3A_22 = vector.load %arg1[%get3A_20, %get3A_21] : memref<9x128xf32, #tpu.memory_space<vmem>>, vector<1x128xf32>
    %get3A_23 = arith.constant 8 : index
    %get3A_24 = arith.constant 0 : index
    %get3A_25 = vector.load %arg1[%get3A_23, %get3A_24] : memref<9x128xf32, #tpu.memory_space<vmem>>, vector<1x128xf32>
    %add3A = arith.addf %get3A_1, %get3A_10 : vector<1x128xf32>
    %add3A_26 = arith.addf %add3A, %get3A_19 : vector<1x128xf32>
    %mul3A = arith.constant 0.333333343 : f32
    %mul3A_27 = vector.broadcast %mul3A : f32 to vector<1x128xf32>
    %mul3A_28 = arith.mulf %add3A_26, %mul3A_27 : vector<1x128xf32>
    %add3A_29 = arith.addf %get3A_4, %get3A_13 : vector<1x128xf32>
    %add3A_30 = arith.addf %add3A_29, %get3A_22 : vector<1x128xf32>
    %mul3A_31 = arith.constant 0.333333343 : f32
    %mul3A_32 = vector.broadcast %mul3A_31 : f32 to vector<1x128xf32>
    %mul3A_33 = arith.mulf %add3A_30, %mul3A_32 : vector<1x128xf32>
    %add3A_34 = arith.addf %get3A_7, %get3A_16 : vector<1x128xf32>
    %add3A_35 = arith.addf %add3A_34, %get3A_25 : vector<1x128xf32>
    %mul3A_36 = arith.constant 0.333333343 : f32
    %mul3A_37 = vector.broadcast %mul3A_36 : f32 to vector<1x128xf32>
    %mul3A_38 = arith.mulf %add3A_35, %mul3A_37 : vector<1x128xf32>
    %sub3A = arith.subf %get3A_1, %mul3A_28 : vector<1x128xf32>
    %integer_pow3A = arith.mulf %sub3A, %sub3A : vector<1x128xf32>
    %add3A_39 = arith.constant 0.000000e+00 : f32
    %add3A_40 = vector.broadcast %add3A_39 : f32 to vector<1x128xf32>
    %add3A_41 = arith.addf %add3A_40, %integer_pow3A : vector<1x128xf32>
    %sub3A_42 = arith.subf %get3A_4, %mul3A_33 : vector<1x128xf32>
    %integer_pow3A_43 = arith.mulf %sub3A_42, %sub3A_42 : vector<1x128xf32>
    %add3A_44 = arith.addf %add3A_41, %integer_pow3A_43 : vector<1x128xf32>
    %sub3A_45 = arith.subf %get3A_7, %mul3A_38 : vector<1x128xf32>
    %integer_pow3A_46 = arith.mulf %sub3A_45, %sub3A_45 : vector<1x128xf32>
    %add3A_47 = arith.addf %add3A_44, %integer_pow3A_46 : vector<1x128xf32>
    %sqrt3A = math.sqrt %add3A_47 : vector<1x128xf32>
    %sub3A_48 = arith.subf %get3A_10, %mul3A_28 : vector<1x128xf32>
    %integer_pow3A_49 = arith.mulf %sub3A_48, %sub3A_48 : vector<1x128xf32>
    %add3A_50 = arith.constant 0.000000e+00 : f32
    %add3A_51 = vector.broadcast %add3A_50 : f32 to vector<1x128xf32>
    %add3A_52 = arith.addf %add3A_51, %integer_pow3A_49 : vector<1x128xf32>
    %sub3A_53 = arith.subf %get3A_13, %mul3A_33 : vector<1x128xf32>
    %integer_pow3A_54 = arith.mulf %sub3A_53, %sub3A_53 : vector<1x128xf32>
    %add3A_55 = arith.addf %add3A_52, %integer_pow3A_54 : vector<1x128xf32>
    %sub3A_56 = arith.subf %get3A_16, %mul3A_38 : vector<1x128xf32>
    %integer_pow3A_57 = arith.mulf %sub3A_56, %sub3A_56 : vector<1x128xf32>
    %add3A_58 = arith.addf %add3A_55, %integer_pow3A_57 : vector<1x128xf32>
    %sqrt3A_59 = math.sqrt %add3A_58 : vector<1x128xf32>
    %sub3A_60 = arith.subf %get3A_19, %mul3A_28 : vector<1x128xf32>
    %integer_pow3A_61 = arith.mulf %sub3A_60, %sub3A_60 : vector<1x128xf32>
    %add3A_62 = arith.constant 0.000000e+00 : f32
    %add3A_63 = vector.broadcast %add3A_62 : f32 to vector<1x128xf32>
    %add3A_64 = arith.addf %add3A_63, %integer_pow3A_61 : vector<1x128xf32>
    %sub3A_65 = arith.subf %get3A_22, %mul3A_33 : vector<1x128xf32>
    %integer_pow3A_66 = arith.mulf %sub3A_65, %sub3A_65 : vector<1x128xf32>
    %add3A_67 = arith.addf %add3A_64, %integer_pow3A_66 : vector<1x128xf32>
    %sub3A_68 = arith.subf %get3A_25, %mul3A_38 : vector<1x128xf32>
    %integer_pow3A_69 = arith.mulf %sub3A_68, %sub3A_68 : vector<1x128xf32>
    %add3A_70 = arith.addf %add3A_67, %integer_pow3A_69 : vector<1x128xf32>
    %sqrt3A_71 = math.sqrt %add3A_70 : vector<1x128xf32>
    %add3A_72 = arith.addf %sqrt3A, %sqrt3A_59 : vector<1x128xf32>
    %add3A_73 = arith.addf %add3A_72, %sqrt3A_71 : vector<1x128xf32>
    %mul3A_74 = arith.constant 0.333333343 : f32
    %mul3A_75 = vector.broadcast %mul3A_74 : f32 to vector<1x128xf32>
    %mul3A_76 = arith.mulf %add3A_73, %mul3A_75 : vector<1x128xf32>
    %add3A_77 = arith.constant 9.99999974E-6 : f32
    %add3A_78 = vector.broadcast %add3A_77 : f32 to vector<1x128xf32>
    %add3A_79 = arith.addf %mul3A_76, %add3A_78 : vector<1x128xf32>
    %div3A = arith.constant 1.000000e+00 : f32
    %div3A_80 = vector.broadcast %div3A : f32 to vector<1x128xf32>
    %div3A_81 = arith.divf %div3A_80, %add3A_79 : vector<1x128xf32>
    %mul3A_82 = arith.mulf %get3A_1, %div3A_81 : vector<1x128xf32>
    %mul3A_83 = arith.mulf %get3A_4, %div3A_81 : vector<1x128xf32>
    %mul3A_84 = arith.mulf %get3A_7, %div3A_81 : vector<1x128xf32>
    %mul3A_85 = arith.mulf %get3A_10, %div3A_81 : vector<1x128xf32>
    %mul3A_86 = arith.mulf %get3A_13, %div3A_81 : vector<1x128xf32>
    %mul3A_87 = arith.mulf %get3A_16, %div3A_81 : vector<1x128xf32>
    %mul3A_88 = arith.mulf %get3A_19, %div3A_81 : vector<1x128xf32>
    %mul3A_89 = arith.mulf %get3A_22, %div3A_81 : vector<1x128xf32>
    %mul3A_90 = arith.mulf %get3A_25, %div3A_81 : vector<1x128xf32>
    %sub3A_91 = arith.subf %mul3A_85, %mul3A_82 : vector<1x128xf32>
    %sub3A_92 = arith.subf %mul3A_86, %mul3A_83 : vector<1x128xf32>
    %sub3A_93 = arith.subf %mul3A_87, %mul3A_84 : vector<1x128xf32>
    %sub3A_94 = arith.subf %mul3A_88, %mul3A_82 : vector<1x128xf32>
    %sub3A_95 = arith.subf %mul3A_89, %mul3A_83 : vector<1x128xf32>
    %sub3A_96 = arith.subf %mul3A_90, %mul3A_84 : vector<1x128xf32>
    %mul3A_97 = arith.mulf %sub3A_92, %sub3A_96 : vector<1x128xf32>
    %mul3A_98 = arith.mulf %sub3A_93, %sub3A_95 : vector<1x128xf32>
    %sub3A_99 = arith.subf %mul3A_97, %mul3A_98 : vector<1x128xf32>
    %mul3A_100 = arith.mulf %sub3A_93, %sub3A_94 : vector<1x128xf32>
    %mul3A_101 = arith.mulf %sub3A_91, %sub3A_96 : vector<1x128xf32>
    %sub3A_102 = arith.subf %mul3A_100, %mul3A_101 : vector<1x128xf32>
    %mul3A_103 = arith.mulf %sub3A_91, %sub3A_95 : vector<1x128xf32>
    %mul3A_104 = arith.mulf %sub3A_92, %sub3A_94 : vector<1x128xf32>
    %sub3A_105 = arith.subf %mul3A_103, %mul3A_104 : vector<1x128xf32>
    %mul3A_106 = arith.constant 5.000000e-01 : f32
    %mul3A_107 = vector.broadcast %mul3A_106 : f32 to vector<1x128xf32>
    %mul3A_108 = arith.mulf %mul3A_107, %sub3A_99 : vector<1x128xf32>
    %mul3A_109 = arith.constant 5.000000e-01 : f32
    %mul3A_110 = vector.broadcast %mul3A_109 : f32 to vector<1x128xf32>
    %mul3A_111 = arith.mulf %mul3A_110, %sub3A_102 : vector<1x128xf32>
    %mul3A_112 = arith.constant 5.000000e-01 : f32
    %mul3A_113 = vector.broadcast %mul3A_112 : f32 to vector<1x128xf32>
    %mul3A_114 = arith.mulf %mul3A_113, %sub3A_105 : vector<1x128xf32>
    %mul3A_115 = arith.mulf %mul3A_108, %mul3A_108 : vector<1x128xf32>
    %mul3A_116 = arith.mulf %mul3A_111, %mul3A_111 : vector<1x128xf32>
    %add3A_117 = arith.addf %mul3A_115, %mul3A_116 : vector<1x128xf32>
    %mul3A_118 = arith.mulf %mul3A_114, %mul3A_114 : vector<1x128xf32>
    %add3A_119 = arith.addf %add3A_117, %mul3A_118 : vector<1x128xf32>
    %sqrt3A_120 = math.sqrt %add3A_119 : vector<1x128xf32>
    %add3A_121 = arith.constant 9.99999997E-7 : f32
    %add3A_122 = vector.broadcast %add3A_121 : f32 to vector<1x128xf32>
    %add3A_123 = arith.addf %sqrt3A_120, %add3A_122 : vector<1x128xf32>
    %div3A_124 = arith.constant 1.000000e+00 : f32
    %div3A_125 = vector.broadcast %div3A_124 : f32 to vector<1x128xf32>
    %div3A_126 = arith.divf %div3A_125, %add3A_123 : vector<1x128xf32>
    %mul3A_127 = arith.mulf %mul3A_108, %div3A_126 : vector<1x128xf32>
    %mul3A_128 = arith.mulf %mul3A_111, %div3A_126 : vector<1x128xf32>
    %mul3A_129 = arith.mulf %mul3A_114, %div3A_126 : vector<1x128xf32>
    %add3A_130 = arith.addf %mul3A_82, %mul3A_85 : vector<1x128xf32>
    %add3A_131 = arith.addf %add3A_130, %mul3A_88 : vector<1x128xf32>
    %mul3A_132 = arith.constant 0.333333343 : f32
    %mul3A_133 = vector.broadcast %mul3A_132 : f32 to vector<1x128xf32>
    %mul3A_134 = arith.mulf %add3A_131, %mul3A_133 : vector<1x128xf32>
    %add3A_135 = arith.addf %mul3A_83, %mul3A_86 : vector<1x128xf32>
    %add3A_136 = arith.addf %add3A_135, %mul3A_89 : vector<1x128xf32>
    %mul3A_137 = arith.constant 0.333333343 : f32
    %mul3A_138 = vector.broadcast %mul3A_137 : f32 to vector<1x128xf32>
    %mul3A_139 = arith.mulf %add3A_136, %mul3A_138 : vector<1x128xf32>
    %add3A_140 = arith.addf %mul3A_84, %mul3A_87 : vector<1x128xf32>
    %add3A_141 = arith.addf %add3A_140, %mul3A_90 : vector<1x128xf32>
    %mul3A_142 = arith.constant 0.333333343 : f32
    %mul3A_143 = vector.broadcast %mul3A_142 : f32 to vector<1x128xf32>
    %mul3A_144 = arith.mulf %add3A_141, %mul3A_143 : vector<1x128xf32>
    %mul3A_145 = arith.mulf %sub3A_91, %sub3A_91 : vector<1x128xf32>
    %mul3A_146 = arith.mulf %sub3A_92, %sub3A_92 : vector<1x128xf32>
    %add3A_147 = arith.addf %mul3A_145, %mul3A_146 : vector<1x128xf32>
    %mul3A_148 = arith.mulf %sub3A_93, %sub3A_93 : vector<1x128xf32>
    %add3A_149 = arith.addf %add3A_147, %mul3A_148 : vector<1x128xf32>
    %sqrt3A_150 = math.sqrt %add3A_149 : vector<1x128xf32>
    %div3A_151 = arith.divf %sub3A_91, %sqrt3A_150 : vector<1x128xf32>
    %mul3A_152 = arith.mulf %sub3A_91, %sub3A_91 : vector<1x128xf32>
    %mul3A_153 = arith.mulf %sub3A_92, %sub3A_92 : vector<1x128xf32>
    %add3A_154 = arith.addf %mul3A_152, %mul3A_153 : vector<1x128xf32>
    %mul3A_155 = arith.mulf %sub3A_93, %sub3A_93 : vector<1x128xf32>
    %add3A_156 = arith.addf %add3A_154, %mul3A_155 : vector<1x128xf32>
    %sqrt3A_157 = math.sqrt %add3A_156 : vector<1x128xf32>
    %div3A_158 = arith.divf %sub3A_92, %sqrt3A_157 : vector<1x128xf32>
    %mul3A_159 = arith.mulf %sub3A_91, %sub3A_91 : vector<1x128xf32>
    %mul3A_160 = arith.mulf %sub3A_92, %sub3A_92 : vector<1x128xf32>
    %add3A_161 = arith.addf %mul3A_159, %mul3A_160 : vector<1x128xf32>
    %mul3A_162 = arith.mulf %sub3A_93, %sub3A_93 : vector<1x128xf32>
    %add3A_163 = arith.addf %add3A_161, %mul3A_162 : vector<1x128xf32>
    %sqrt3A_164 = math.sqrt %add3A_163 : vector<1x128xf32>
    %div3A_165 = arith.divf %sub3A_93, %sqrt3A_164 : vector<1x128xf32>
    %mul3A_166 = arith.mulf %mul3A_128, %div3A_165 : vector<1x128xf32>
    %mul3A_167 = arith.mulf %mul3A_129, %div3A_158 : vector<1x128xf32>
    %sub3A_168 = arith.subf %mul3A_166, %mul3A_167 : vector<1x128xf32>
    %mul3A_169 = arith.mulf %mul3A_129, %div3A_151 : vector<1x128xf32>
    %mul3A_170 = arith.mulf %mul3A_127, %div3A_165 : vector<1x128xf32>
    %sub3A_171 = arith.subf %mul3A_169, %mul3A_170 : vector<1x128xf32>
    %mul3A_172 = arith.mulf %mul3A_127, %div3A_158 : vector<1x128xf32>
    %mul3A_173 = arith.mulf %mul3A_128, %div3A_151 : vector<1x128xf32>
    %sub3A_174 = arith.subf %mul3A_172, %mul3A_173 : vector<1x128xf32>
    %mul3A_175 = arith.mulf %sub3A_168, %sub3A_168 : vector<1x128xf32>
    %mul3A_176 = arith.mulf %sub3A_171, %sub3A_171 : vector<1x128xf32>
    %add3A_177 = arith.addf %mul3A_175, %mul3A_176 : vector<1x128xf32>
    %mul3A_178 = arith.mulf %sub3A_174, %sub3A_174 : vector<1x128xf32>
    %add3A_179 = arith.addf %add3A_177, %mul3A_178 : vector<1x128xf32>
    %sqrt3A_180 = math.sqrt %add3A_179 : vector<1x128xf32>
    %div3A_181 = arith.divf %sub3A_168, %sqrt3A_180 : vector<1x128xf32>
    %mul3A_182 = arith.mulf %sub3A_168, %sub3A_168 : vector<1x128xf32>
    %mul3A_183 = arith.mulf %sub3A_171, %sub3A_171 : vector<1x128xf32>
    %add3A_184 = arith.addf %mul3A_182, %mul3A_183 : vector<1x128xf32>
    %mul3A_185 = arith.mulf %sub3A_174, %sub3A_174 : vector<1x128xf32>
    %add3A_186 = arith.addf %add3A_184, %mul3A_185 : vector<1x128xf32>
    %sqrt3A_187 = math.sqrt %add3A_186 : vector<1x128xf32>
    %div3A_188 = arith.divf %sub3A_171, %sqrt3A_187 : vector<1x128xf32>
    %mul3A_189 = arith.mulf %sub3A_168, %sub3A_168 : vector<1x128xf32>
    %mul3A_190 = arith.mulf %sub3A_171, %sub3A_171 : vector<1x128xf32>
    %add3A_191 = arith.addf %mul3A_189, %mul3A_190 : vector<1x128xf32>
    %mul3A_192 = arith.mulf %sub3A_174, %sub3A_174 : vector<1x128xf32>
    %add3A_193 = arith.addf %add3A_191, %mul3A_192 : vector<1x128xf32>
    %sqrt3A_194 = math.sqrt %add3A_193 : vector<1x128xf32>
    %div3A_195 = arith.divf %sub3A_174, %sqrt3A_194 : vector<1x128xf32>
    %get3A_196 = arith.constant 0 : index
    %get3A_197 = arith.constant 0 : index
    %get3A_198 = vector.load %arg2[%get3A_196, %get3A_197] : memref<96x128xf32, #tpu.memory_space<vmem>>, vector<32x128xf32>
    %mul3A_199 = vector.broadcast %div3A_81 : vector<1x128xf32> to vector<32x128xf32>
    %mul3A_200 = arith.mulf %get3A_198, %mul3A_199 : vector<32x128xf32>
    %get3A_201 = arith.constant 32 : index
    %get3A_202 = arith.constant 0 : index
    %get3A_203 = vector.load %arg2[%get3A_201, %get3A_202] : memref<96x128xf32, #tpu.memory_space<vmem>>, vector<32x128xf32>
    %mul3A_204 = vector.broadcast %div3A_81 : vector<1x128xf32> to vector<32x128xf32>
    %mul3A_205 = arith.mulf %get3A_203, %mul3A_204 : vector<32x128xf32>
    %get3A_206 = arith.constant 64 : index
    %get3A_207 = arith.constant 0 : index
    %get3A_208 = vector.load %arg2[%get3A_206, %get3A_207] : memref<96x128xf32, #tpu.memory_space<vmem>>, vector<32x128xf32>
    %mul3A_209 = vector.broadcast %div3A_81 : vector<1x128xf32> to vector<32x128xf32>
    %mul3A_210 = arith.mulf %get3A_208, %mul3A_209 : vector<32x128xf32>
    %sub3A_211 = vector.broadcast %mul3A_134 : vector<1x128xf32> to vector<32x128xf32>
    %sub3A_212 = arith.subf %mul3A_200, %sub3A_211 : vector<32x128xf32>
    %sub3A_213 = vector.broadcast %mul3A_139 : vector<1x128xf32> to vector<32x128xf32>
    %sub3A_214 = arith.subf %mul3A_205, %sub3A_213 : vector<32x128xf32>
    %sub3A_215 = vector.broadcast %mul3A_144 : vector<1x128xf32> to vector<32x128xf32>
    %sub3A_216 = arith.subf %mul3A_210, %sub3A_215 : vector<32x128xf32>
    %mul3A_217 = vector.broadcast %mul3A_127 : vector<1x128xf32> to vector<32x128xf32>
    %mul3A_218 = arith.mulf %mul3A_217, %sub3A_212 : vector<32x128xf32>
    %mul3A_219 = vector.broadcast %mul3A_128 : vector<1x128xf32> to vector<32x128xf32>
    %mul3A_220 = arith.mulf %mul3A_219, %sub3A_214 : vector<32x128xf32>
    %add3A_221 = arith.addf %mul3A_218, %mul3A_220 : vector<32x128xf32>
    %mul3A_222 = vector.broadcast %mul3A_129 : vector<1x128xf32> to vector<32x128xf32>
    %mul3A_223 = arith.mulf %mul3A_222, %sub3A_216 : vector<32x128xf32>
    %add3A_224 = arith.addf %add3A_221, %mul3A_223 : vector<32x128xf32>
    %mul3A_225 = vector.broadcast %mul3A_127 : vector<1x128xf32> to vector<32x128xf32>
    %mul3A_226 = arith.mulf %mul3A_225, %add3A_224 : vector<32x128xf32>
    %sub3A_227 = arith.subf %mul3A_200, %mul3A_226 : vector<32x128xf32>
    %mul3A_228 = vector.broadcast %mul3A_128 : vector<1x128xf32> to vector<32x128xf32>
    %mul3A_229 = arith.mulf %mul3A_228, %add3A_224 : vector<32x128xf32>
    %sub3A_230 = arith.subf %mul3A_205, %mul3A_229 : vector<32x128xf32>
    %mul3A_231 = vector.broadcast %mul3A_129 : vector<1x128xf32> to vector<32x128xf32>
    %mul3A_232 = arith.mulf %mul3A_231, %add3A_224 : vector<32x128xf32>
    %sub3A_233 = arith.subf %mul3A_210, %mul3A_232 : vector<32x128xf32>
    %sub3A_234 = vector.broadcast %mul3A_85 : vector<1x128xf32> to vector<32x128xf32>
    %sub3A_235 = arith.subf %sub3A_234, %sub3A_227 : vector<32x128xf32>
    %sub3A_236 = vector.broadcast %mul3A_86 : vector<1x128xf32> to vector<32x128xf32>
    %sub3A_237 = arith.subf %sub3A_236, %sub3A_230 : vector<32x128xf32>
    %sub3A_238 = vector.broadcast %mul3A_87 : vector<1x128xf32> to vector<32x128xf32>
    %sub3A_239 = arith.subf %sub3A_238, %sub3A_233 : vector<32x128xf32>
    %sub3A_240 = vector.broadcast %mul3A_88 : vector<1x128xf32> to vector<32x128xf32>
    %sub3A_241 = arith.subf %sub3A_240, %sub3A_227 : vector<32x128xf32>
    %sub3A_242 = vector.broadcast %mul3A_89 : vector<1x128xf32> to vector<32x128xf32>
    %sub3A_243 = arith.subf %sub3A_242, %sub3A_230 : vector<32x128xf32>
    %sub3A_244 = vector.broadcast %mul3A_90 : vector<1x128xf32> to vector<32x128xf32>
    %sub3A_245 = arith.subf %sub3A_244, %sub3A_233 : vector<32x128xf32>
    %mul3A_246 = arith.mulf %sub3A_237, %sub3A_245 : vector<32x128xf32>
    %mul3A_247 = arith.mulf %sub3A_239, %sub3A_243 : vector<32x128xf32>
    %sub3A_248 = arith.subf %mul3A_246, %mul3A_247 : vector<32x128xf32>
    %mul3A_249 = arith.mulf %sub3A_239, %sub3A_241 : vector<32x128xf32>
    %mul3A_250 = arith.mulf %sub3A_235, %sub3A_245 : vector<32x128xf32>
    %sub3A_251 = arith.subf %mul3A_249, %mul3A_250 : vector<32x128xf32>
    %mul3A_252 = arith.mulf %sub3A_235, %sub3A_243 : vector<32x128xf32>
    %mul3A_253 = arith.mulf %sub3A_237, %sub3A_241 : vector<32x128xf32>
    %sub3A_254 = arith.subf %mul3A_252, %mul3A_253 : vector<32x128xf32>
    %mul3A_255 = vector.broadcast %mul3A_127 : vector<1x128xf32> to vector<32x128xf32>
    %mul3A_256 = arith.mulf %mul3A_255, %sub3A_248 : vector<32x128xf32>
    %mul3A_257 = vector.broadcast %mul3A_128 : vector<1x128xf32> to vector<32x128xf32>
    %mul3A_258 = arith.mulf %mul3A_257, %sub3A_251 : vector<32x128xf32>
    %add3A_259 = arith.addf %mul3A_256, %mul3A_258 : vector<32x128xf32>
    %mul3A_260 = vector.broadcast %mul3A_129 : vector<1x128xf32> to vector<32x128xf32>
    %mul3A_261 = arith.mulf %mul3A_260, %sub3A_254 : vector<32x128xf32>
    %add3A_262 = arith.addf %add3A_259, %mul3A_261 : vector<32x128xf32>
    %mul3A_263 = arith.constant 5.000000e-01 : f32
    %mul3A_264 = vector.broadcast %mul3A_263 : f32 to vector<32x128xf32>
    %mul3A_265 = arith.mulf %mul3A_264, %add3A_262 : vector<32x128xf32>
    %add3A_266 = arith.constant 3.33333332E-7 : f32
    %add3A_267 = vector.broadcast %add3A_266 : f32 to vector<32x128xf32>
    %add3A_268 = arith.addf %mul3A_265, %add3A_267 : vector<32x128xf32>
    %mul3A_269 = vector.broadcast %div3A_126 : vector<1x128xf32> to vector<32x128xf32>
    %mul3A_270 = arith.mulf %add3A_268, %mul3A_269 : vector<32x128xf32>
    %jit3A = arith.constant -5.000000e+00 : f32
    %jit3A_271 = arith.constant 5.000000e+00 : f32
    %max3A = vector.broadcast %jit3A : f32 to vector<32x128xf32>
    %max3A_272 = arith.maximumf %max3A, %mul3A_270 : vector<32x128xf32>
    %min3A = vector.broadcast %jit3A_271 : f32 to vector<32x128xf32>
    %min3A_273 = arith.minimumf %min3A, %max3A_272 : vector<32x128xf32>
    %sub3A_274 = vector.broadcast %mul3A_88 : vector<1x128xf32> to vector<32x128xf32>
    %sub3A_275 = arith.subf %sub3A_274, %sub3A_227 : vector<32x128xf32>
    %sub3A_276 = vector.broadcast %mul3A_89 : vector<1x128xf32> to vector<32x128xf32>
    %sub3A_277 = arith.subf %sub3A_276, %sub3A_230 : vector<32x128xf32>
    %sub3A_278 = vector.broadcast %mul3A_90 : vector<1x128xf32> to vector<32x128xf32>
    %sub3A_279 = arith.subf %sub3A_278, %sub3A_233 : vector<32x128xf32>
    %sub3A_280 = vector.broadcast %mul3A_82 : vector<1x128xf32> to vector<32x128xf32>
    %sub3A_281 = arith.subf %sub3A_280, %sub3A_227 : vector<32x128xf32>
    %sub3A_282 = vector.broadcast %mul3A_83 : vector<1x128xf32> to vector<32x128xf32>
    %sub3A_283 = arith.subf %sub3A_282, %sub3A_230 : vector<32x128xf32>
    %sub3A_284 = vector.broadcast %mul3A_84 : vector<1x128xf32> to vector<32x128xf32>
    %sub3A_285 = arith.subf %sub3A_284, %sub3A_233 : vector<32x128xf32>
    %mul3A_286 = arith.mulf %sub3A_277, %sub3A_285 : vector<32x128xf32>
    %mul3A_287 = arith.mulf %sub3A_279, %sub3A_283 : vector<32x128xf32>
    %sub3A_288 = arith.subf %mul3A_286, %mul3A_287 : vector<32x128xf32>
    %mul3A_289 = arith.mulf %sub3A_279, %sub3A_281 : vector<32x128xf32>
    %mul3A_290 = arith.mulf %sub3A_275, %sub3A_285 : vector<32x128xf32>
    %sub3A_291 = arith.subf %mul3A_289, %mul3A_290 : vector<32x128xf32>
    %mul3A_292 = arith.mulf %sub3A_275, %sub3A_283 : vector<32x128xf32>
    %mul3A_293 = arith.mulf %sub3A_277, %sub3A_281 : vector<32x128xf32>
    %sub3A_294 = arith.subf %mul3A_292, %mul3A_293 : vector<32x128xf32>
    %mul3A_295 = vector.broadcast %mul3A_127 : vector<1x128xf32> to vector<32x128xf32>
    %mul3A_296 = arith.mulf %mul3A_295, %sub3A_288 : vector<32x128xf32>
    %mul3A_297 = vector.broadcast %mul3A_128 : vector<1x128xf32> to vector<32x128xf32>
    %mul3A_298 = arith.mulf %mul3A_297, %sub3A_291 : vector<32x128xf32>
    %add3A_299 = arith.addf %mul3A_296, %mul3A_298 : vector<32x128xf32>
    %mul3A_300 = vector.broadcast %mul3A_129 : vector<1x128xf32> to vector<32x128xf32>
    %mul3A_301 = arith.mulf %mul3A_300, %sub3A_294 : vector<32x128xf32>
    %add3A_302 = arith.addf %add3A_299, %mul3A_301 : vector<32x128xf32>
    %mul3A_303 = arith.constant 5.000000e-01 : f32
    %mul3A_304 = vector.broadcast %mul3A_303 : f32 to vector<32x128xf32>
    %mul3A_305 = arith.mulf %mul3A_304, %add3A_302 : vector<32x128xf32>
    %add3A_306 = arith.constant 3.33333332E-7 : f32
    %add3A_307 = vector.broadcast %add3A_306 : f32 to vector<32x128xf32>
    %add3A_308 = arith.addf %mul3A_305, %add3A_307 : vector<32x128xf32>
    %mul3A_309 = vector.broadcast %div3A_126 : vector<1x128xf32> to vector<32x128xf32>
    %mul3A_310 = arith.mulf %add3A_308, %mul3A_309 : vector<32x128xf32>
    %jit3A_311 = arith.constant -5.000000e+00 : f32
    %jit3A_312 = arith.constant 5.000000e+00 : f32
    %max3A_313 = vector.broadcast %jit3A_311 : f32 to vector<32x128xf32>
    %max3A_314 = arith.maximumf %max3A_313, %mul3A_310 : vector<32x128xf32>
    %min3A_315 = vector.broadcast %jit3A_312 : f32 to vector<32x128xf32>
    %min3A_316 = arith.minimumf %min3A_315, %max3A_314 : vector<32x128xf32>
    %sub3A_317 = vector.broadcast %mul3A_82 : vector<1x128xf32> to vector<32x128xf32>
    %sub3A_318 = arith.subf %sub3A_317, %sub3A_227 : vector<32x128xf32>
    %sub3A_319 = vector.broadcast %mul3A_83 : vector<1x128xf32> to vector<32x128xf32>
    %sub3A_320 = arith.subf %sub3A_319, %sub3A_230 : vector<32x128xf32>
    %sub3A_321 = vector.broadcast %mul3A_84 : vector<1x128xf32> to vector<32x128xf32>
    %sub3A_322 = arith.subf %sub3A_321, %sub3A_233 : vector<32x128xf32>
    %sub3A_323 = vector.broadcast %mul3A_85 : vector<1x128xf32> to vector<32x128xf32>
    %sub3A_324 = arith.subf %sub3A_323, %sub3A_227 : vector<32x128xf32>
    %sub3A_325 = vector.broadcast %mul3A_86 : vector<1x128xf32> to vector<32x128xf32>
    %sub3A_326 = arith.subf %sub3A_325, %sub3A_230 : vector<32x128xf32>
    %sub3A_327 = vector.broadcast %mul3A_87 : vector<1x128xf32> to vector<32x128xf32>
    %sub3A_328 = arith.subf %sub3A_327, %sub3A_233 : vector<32x128xf32>
    %mul3A_329 = arith.mulf %sub3A_320, %sub3A_328 : vector<32x128xf32>
    %mul3A_330 = arith.mulf %sub3A_322, %sub3A_326 : vector<32x128xf32>
    %sub3A_331 = arith.subf %mul3A_329, %mul3A_330 : vector<32x128xf32>
    %mul3A_332 = arith.mulf %sub3A_322, %sub3A_324 : vector<32x128xf32>
    %mul3A_333 = arith.mulf %sub3A_318, %sub3A_328 : vector<32x128xf32>
    %sub3A_334 = arith.subf %mul3A_332, %mul3A_333 : vector<32x128xf32>
    %mul3A_335 = arith.mulf %sub3A_318, %sub3A_326 : vector<32x128xf32>
    %mul3A_336 = arith.mulf %sub3A_320, %sub3A_324 : vector<32x128xf32>
    %sub3A_337 = arith.subf %mul3A_335, %mul3A_336 : vector<32x128xf32>
    %mul3A_338 = vector.broadcast %mul3A_127 : vector<1x128xf32> to vector<32x128xf32>
    %mul3A_339 = arith.mulf %mul3A_338, %sub3A_331 : vector<32x128xf32>
    %mul3A_340 = vector.broadcast %mul3A_128 : vector<1x128xf32> to vector<32x128xf32>
    %mul3A_341 = arith.mulf %mul3A_340, %sub3A_334 : vector<32x128xf32>
    %add3A_342 = arith.addf %mul3A_339, %mul3A_341 : vector<32x128xf32>
    %mul3A_343 = vector.broadcast %mul3A_129 : vector<1x128xf32> to vector<32x128xf32>
    %mul3A_344 = arith.mulf %mul3A_343, %sub3A_337 : vector<32x128xf32>
    %add3A_345 = arith.addf %add3A_342, %mul3A_344 : vector<32x128xf32>
    %mul3A_346 = arith.constant 5.000000e-01 : f32
    %mul3A_347 = vector.broadcast %mul3A_346 : f32 to vector<32x128xf32>
    %mul3A_348 = arith.mulf %mul3A_347, %add3A_345 : vector<32x128xf32>
    %add3A_349 = arith.constant 3.33333332E-7 : f32
    %add3A_350 = vector.broadcast %add3A_349 : f32 to vector<32x128xf32>
    %add3A_351 = arith.addf %mul3A_348, %add3A_350 : vector<32x128xf32>
    %mul3A_352 = vector.broadcast %div3A_126 : vector<1x128xf32> to vector<32x128xf32>
    %mul3A_353 = arith.mulf %add3A_351, %mul3A_352 : vector<32x128xf32>
    %jit3A_354 = arith.constant -5.000000e+00 : f32
    %jit3A_355 = arith.constant 5.000000e+00 : f32
    %max3A_356 = vector.broadcast %jit3A_354 : f32 to vector<32x128xf32>
    %max3A_357 = arith.maximumf %max3A_356, %mul3A_353 : vector<32x128xf32>
    %min3A_358 = vector.broadcast %jit3A_355 : f32 to vector<32x128xf32>
    %min3A_359 = arith.minimumf %min3A_358, %max3A_357 : vector<32x128xf32>
    %mul3A_360 = vector.broadcast %div3A_151 : vector<1x128xf32> to vector<32x128xf32>
    %mul3A_361 = arith.mulf %mul3A_360, %sub3A_212 : vector<32x128xf32>
    %mul3A_362 = vector.broadcast %div3A_158 : vector<1x128xf32> to vector<32x128xf32>
    %mul3A_363 = arith.mulf %mul3A_362, %sub3A_214 : vector<32x128xf32>
    %add3A_364 = arith.addf %mul3A_361, %mul3A_363 : vector<32x128xf32>
    %mul3A_365 = vector.broadcast %div3A_165 : vector<1x128xf32> to vector<32x128xf32>
    %mul3A_366 = arith.mulf %mul3A_365, %sub3A_216 : vector<32x128xf32>
    %add3A_367 = arith.addf %add3A_364, %mul3A_366 : vector<32x128xf32>
    %mul3A_368 = vector.broadcast %div3A_181 : vector<1x128xf32> to vector<32x128xf32>
    %mul3A_369 = arith.mulf %mul3A_368, %sub3A_212 : vector<32x128xf32>
    %mul3A_370 = vector.broadcast %div3A_188 : vector<1x128xf32> to vector<32x128xf32>
    %mul3A_371 = arith.mulf %mul3A_370, %sub3A_214 : vector<32x128xf32>
    %add3A_372 = arith.addf %mul3A_369, %mul3A_371 : vector<32x128xf32>
    %mul3A_373 = vector.broadcast %div3A_195 : vector<1x128xf32> to vector<32x128xf32>
    %mul3A_374 = arith.mulf %mul3A_373, %sub3A_216 : vector<32x128xf32>
    %add3A_375 = arith.addf %add3A_372, %mul3A_374 : vector<32x128xf32>
    %reshape3A = vector.shape_cast %add3A_367 : vector<32x128xf32> to vector<1x4096xf32>
    %reshape3A_376 = vector.shape_cast %add3A_375 : vector<32x128xf32> to vector<1x4096xf32>
    %reshape3A_377 = vector.shape_cast %add3A_224 : vector<32x128xf32> to vector<1x4096xf32>
    %reshape3A_378 = vector.shape_cast %min3A_273 : vector<32x128xf32> to vector<1x4096xf32>
    %reshape3A_379 = vector.shape_cast %min3A_316 : vector<32x128xf32> to vector<1x4096xf32>
    %reshape3A_380 = vector.shape_cast %min3A_359 : vector<32x128xf32> to vector<1x4096xf32>
    %concatenate3A = tpu.concatenate %reshape3A, %reshape3A_376, %reshape3A_377, %reshape3A_378, %reshape3A_379, %reshape3A_380 in 0 : vector<1x4096xf32>, vector<1x4096xf32>, vector<1x4096xf32>, vector<1x4096xf32>, vector<1x4096xf32>, vector<1x4096xf32> -> vector<6x4096xf32>
    %get3A_381 = arith.constant 0 : index
    %get3A_382 = arith.constant 0 : index
    %get3A_383 = vector.load %arg5[%get3A_381, %get3A_382] : memref<6x64xf32, #tpu.memory_space<vmem>>, vector<6x64xf32>
    %dot_general3A = arith.constant dense<0.000000e+00> : vector<64x4096xf32>
    %dot_general3A_384 = tpu.matmul %get3A_383, %concatenate3A, %dot_general3A {dimension_numbers = #tpu.dot_dimension_numbers<[0], [0], [1], [1], [0, 1, 1, 1], [], []>, transpose_lhs_hint = false} : vector<6x64xf32>, vector<6x4096xf32>, vector<64x4096xf32> -> vector<64x4096xf32>
    %get3A_385 = arith.constant 0 : index
    %get3A_386 = arith.constant 0 : index
    %get3A_387 = vector.load %arg6[%get3A_385, %get3A_386] : memref<64x1xf32, #tpu.memory_space<vmem>>, vector<64x1xf32>
    %add3A_388 = vector.broadcast %get3A_387 : vector<64x1xf32> to vector<64x4096xf32>
    %add3A_389 = arith.addf %dot_general3A_384, %add3A_388 : vector<64x4096xf32>
    %max3A_390 = arith.constant 0.000000e+00 : f32
    %max3A_391 = vector.broadcast %max3A_390 : f32 to vector<64x4096xf32>
    %max3A_392 = arith.maximumf %add3A_389, %max3A_391 : vector<64x4096xf32>
    %get3A_393 = arith.constant 0 : index
    %get3A_394 = arith.constant 0 : index
    %get3A_395 = vector.load %arg7[%get3A_393, %get3A_394] : memref<64x128xf32, #tpu.memory_space<vmem>>, vector<64x128xf32>
    %dot_general3A_396 = arith.constant dense<0.000000e+00> : vector<128x4096xf32>
    %dot_general3A_397 = tpu.matmul %get3A_395, %max3A_392, %dot_general3A_396 {dimension_numbers = #tpu.dot_dimension_numbers<[0], [0], [1], [1], [0, 1, 1, 1], [], []>, transpose_lhs_hint = false} : vector<64x128xf32>, vector<64x4096xf32>, vector<128x4096xf32> -> vector<128x4096xf32>
    %get3A_398 = arith.constant 0 : index
    %get3A_399 = arith.constant 0 : index
    %get3A_400 = vector.load %arg8[%get3A_398, %get3A_399] : memref<128x1xf32, #tpu.memory_space<vmem>>, vector<128x1xf32>
    %add3A_401 = vector.broadcast %get3A_400 : vector<128x1xf32> to vector<128x4096xf32>
    %add3A_402 = arith.addf %dot_general3A_397, %add3A_401 : vector<128x4096xf32>
    %max3A_403 = arith.constant 0.000000e+00 : f32
    %max3A_404 = vector.broadcast %max3A_403 : f32 to vector<128x4096xf32>
    %max3A_405 = arith.maximumf %add3A_402, %max3A_404 : vector<128x4096xf32>
    %get3A_406 = arith.constant 0 : index
    %get3A_407 = arith.constant 0 : index
    %get3A_408 = vector.load %arg9[%get3A_406, %get3A_407] : memref<128x1024xf32, #tpu.memory_space<vmem>>, vector<128x1024xf32>
    %dot_general3A_409 = arith.constant dense<0.000000e+00> : vector<1024x4096xf32>
    %dot_general3A_410 = tpu.matmul %get3A_408, %max3A_405, %dot_general3A_409 {dimension_numbers = #tpu.dot_dimension_numbers<[0], [0], [1], [1], [0, 1, 1, 1], [], []>, transpose_lhs_hint = false} : vector<128x1024xf32>, vector<128x4096xf32>, vector<1024x4096xf32> -> vector<1024x4096xf32>
    %slice3A = vector.extract_strided_slice %dot_general3A_410 {offsets = [0, 0], sizes = [1024, 128], strides = [1, 1]} : vector<1024x4096xf32> to vector<1024x128xf32>
    %slice3A_411 = vector.extract_strided_slice %dot_general3A_410 {offsets = [0, 128], sizes = [1024, 128], strides = [1, 1]} : vector<1024x4096xf32> to vector<1024x128xf32>
    %max3A_412 = arith.maximumf %slice3A, %slice3A_411 : vector<1024x128xf32>
    %slice3A_413 = vector.extract_strided_slice %dot_general3A_410 {offsets = [0, 256], sizes = [1024, 128], strides = [1, 1]} : vector<1024x4096xf32> to vector<1024x128xf32>
    %max3A_414 = arith.maximumf %max3A_412, %slice3A_413 : vector<1024x128xf32>
    %slice3A_415 = vector.extract_strided_slice %dot_general3A_410 {offsets = [0, 384], sizes = [1024, 128], strides = [1, 1]} : vector<1024x4096xf32> to vector<1024x128xf32>
    %max3A_416 = arith.maximumf %max3A_414, %slice3A_415 : vector<1024x128xf32>
    %slice3A_417 = vector.extract_strided_slice %dot_general3A_410 {offsets = [0, 512], sizes = [1024, 128], strides = [1, 1]} : vector<1024x4096xf32> to vector<1024x128xf32>
    %max3A_418 = arith.maximumf %max3A_416, %slice3A_417 : vector<1024x128xf32>
    %slice3A_419 = vector.extract_strided_slice %dot_general3A_410 {offsets = [0, 640], sizes = [1024, 128], strides = [1, 1]} : vector<1024x4096xf32> to vector<1024x128xf32>
    %max3A_420 = arith.maximumf %max3A_418, %slice3A_419 : vector<1024x128xf32>
    %slice3A_421 = vector.extract_strided_slice %dot_general3A_410 {offsets = [0, 768], sizes = [1024, 128], strides = [1, 1]} : vector<1024x4096xf32> to vector<1024x128xf32>
    %max3A_422 = arith.maximumf %max3A_420, %slice3A_421 : vector<1024x128xf32>
    %slice3A_423 = vector.extract_strided_slice %dot_general3A_410 {offsets = [0, 896], sizes = [1024, 128], strides = [1, 1]} : vector<1024x4096xf32> to vector<1024x128xf32>
    %max3A_424 = arith.maximumf %max3A_422, %slice3A_423 : vector<1024x128xf32>
    %slice3A_425 = vector.extract_strided_slice %dot_general3A_410 {offsets = [0, 1024], sizes = [1024, 128], strides = [1, 1]} : vector<1024x4096xf32> to vector<1024x128xf32>
    %max3A_426 = arith.maximumf %max3A_424, %slice3A_425 : vector<1024x128xf32>
    %slice3A_427 = vector.extract_strided_slice %dot_general3A_410 {offsets = [0, 1152], sizes = [1024, 128], strides = [1, 1]} : vector<1024x4096xf32> to vector<1024x128xf32>
    %max3A_428 = arith.maximumf %max3A_426, %slice3A_427 : vector<1024x128xf32>
    %slice3A_429 = vector.extract_strided_slice %dot_general3A_410 {offsets = [0, 1280], sizes = [1024, 128], strides = [1, 1]} : vector<1024x4096xf32> to vector<1024x128xf32>
    %max3A_430 = arith.maximumf %max3A_428, %slice3A_429 : vector<1024x128xf32>
    %slice3A_431 = vector.extract_strided_slice %dot_general3A_410 {offsets = [0, 1408], sizes = [1024, 128], strides = [1, 1]} : vector<1024x4096xf32> to vector<1024x128xf32>
    %max3A_432 = arith.maximumf %max3A_430, %slice3A_431 : vector<1024x128xf32>
    %slice3A_433 = vector.extract_strided_slice %dot_general3A_410 {offsets = [0, 1536], sizes = [1024, 128], strides = [1, 1]} : vector<1024x4096xf32> to vector<1024x128xf32>
    %max3A_434 = arith.maximumf %max3A_432, %slice3A_433 : vector<1024x128xf32>
    %slice3A_435 = vector.extract_strided_slice %dot_general3A_410 {offsets = [0, 1664], sizes = [1024, 128], strides = [1, 1]} : vector<1024x4096xf32> to vector<1024x128xf32>
    %max3A_436 = arith.maximumf %max3A_434, %slice3A_435 : vector<1024x128xf32>
    %slice3A_437 = vector.extract_strided_slice %dot_general3A_410 {offsets = [0, 1792], sizes = [1024, 128], strides = [1, 1]} : vector<1024x4096xf32> to vector<1024x128xf32>
    %max3A_438 = arith.maximumf %max3A_436, %slice3A_437 : vector<1024x128xf32>
    %slice3A_439 = vector.extract_strided_slice %dot_general3A_410 {offsets = [0, 1920], sizes = [1024, 128], strides = [1, 1]} : vector<1024x4096xf32> to vector<1024x128xf32>
    %max3A_440 = arith.maximumf %max3A_438, %slice3A_439 : vector<1024x128xf32>
    %slice3A_441 = vector.extract_strided_slice %dot_general3A_410 {offsets = [0, 2048], sizes = [1024, 128], strides = [1, 1]} : vector<1024x4096xf32> to vector<1024x128xf32>
    %max3A_442 = arith.maximumf %max3A_440, %slice3A_441 : vector<1024x128xf32>
    %slice3A_443 = vector.extract_strided_slice %dot_general3A_410 {offsets = [0, 2176], sizes = [1024, 128], strides = [1, 1]} : vector<1024x4096xf32> to vector<1024x128xf32>
    %max3A_444 = arith.maximumf %max3A_442, %slice3A_443 : vector<1024x128xf32>
    %slice3A_445 = vector.extract_strided_slice %dot_general3A_410 {offsets = [0, 2304], sizes = [1024, 128], strides = [1, 1]} : vector<1024x4096xf32> to vector<1024x128xf32>
    %max3A_446 = arith.maximumf %max3A_444, %slice3A_445 : vector<1024x128xf32>
    %slice3A_447 = vector.extract_strided_slice %dot_general3A_410 {offsets = [0, 2432], sizes = [1024, 128], strides = [1, 1]} : vector<1024x4096xf32> to vector<1024x128xf32>
    %max3A_448 = arith.maximumf %max3A_446, %slice3A_447 : vector<1024x128xf32>
    %slice3A_449 = vector.extract_strided_slice %dot_general3A_410 {offsets = [0, 2560], sizes = [1024, 128], strides = [1, 1]} : vector<1024x4096xf32> to vector<1024x128xf32>
    %max3A_450 = arith.maximumf %max3A_448, %slice3A_449 : vector<1024x128xf32>
    %slice3A_451 = vector.extract_strided_slice %dot_general3A_410 {offsets = [0, 2688], sizes = [1024, 128], strides = [1, 1]} : vector<1024x4096xf32> to vector<1024x128xf32>
    %max3A_452 = arith.maximumf %max3A_450, %slice3A_451 : vector<1024x128xf32>
    %slice3A_453 = vector.extract_strided_slice %dot_general3A_410 {offsets = [0, 2816], sizes = [1024, 128], strides = [1, 1]} : vector<1024x4096xf32> to vector<1024x128xf32>
    %max3A_454 = arith.maximumf %max3A_452, %slice3A_453 : vector<1024x128xf32>
    %slice3A_455 = vector.extract_strided_slice %dot_general3A_410 {offsets = [0, 2944], sizes = [1024, 128], strides = [1, 1]} : vector<1024x4096xf32> to vector<1024x128xf32>
    %max3A_456 = arith.maximumf %max3A_454, %slice3A_455 : vector<1024x128xf32>
    %slice3A_457 = vector.extract_strided_slice %dot_general3A_410 {offsets = [0, 3072], sizes = [1024, 128], strides = [1, 1]} : vector<1024x4096xf32> to vector<1024x128xf32>
    %max3A_458 = arith.maximumf %max3A_456, %slice3A_457 : vector<1024x128xf32>
    %slice3A_459 = vector.extract_strided_slice %dot_general3A_410 {offsets = [0, 3200], sizes = [1024, 128], strides = [1, 1]} : vector<1024x4096xf32> to vector<1024x128xf32>
    %max3A_460 = arith.maximumf %max3A_458, %slice3A_459 : vector<1024x128xf32>
    %slice3A_461 = vector.extract_strided_slice %dot_general3A_410 {offsets = [0, 3328], sizes = [1024, 128], strides = [1, 1]} : vector<1024x4096xf32> to vector<1024x128xf32>
    %max3A_462 = arith.maximumf %max3A_460, %slice3A_461 : vector<1024x128xf32>
    %slice3A_463 = vector.extract_strided_slice %dot_general3A_410 {offsets = [0, 3456], sizes = [1024, 128], strides = [1, 1]} : vector<1024x4096xf32> to vector<1024x128xf32>
    %max3A_464 = arith.maximumf %max3A_462, %slice3A_463 : vector<1024x128xf32>
    %slice3A_465 = vector.extract_strided_slice %dot_general3A_410 {offsets = [0, 3584], sizes = [1024, 128], strides = [1, 1]} : vector<1024x4096xf32> to vector<1024x128xf32>
    %max3A_466 = arith.maximumf %max3A_464, %slice3A_465 : vector<1024x128xf32>
    %slice3A_467 = vector.extract_strided_slice %dot_general3A_410 {offsets = [0, 3712], sizes = [1024, 128], strides = [1, 1]} : vector<1024x4096xf32> to vector<1024x128xf32>
    %max3A_468 = arith.maximumf %max3A_466, %slice3A_467 : vector<1024x128xf32>
    %slice3A_469 = vector.extract_strided_slice %dot_general3A_410 {offsets = [0, 3840], sizes = [1024, 128], strides = [1, 1]} : vector<1024x4096xf32> to vector<1024x128xf32>
    %max3A_470 = arith.maximumf %max3A_468, %slice3A_469 : vector<1024x128xf32>
    %slice3A_471 = vector.extract_strided_slice %dot_general3A_410 {offsets = [0, 3968], sizes = [1024, 128], strides = [1, 1]} : vector<1024x4096xf32> to vector<1024x128xf32>
    %max3A_472 = arith.maximumf %max3A_470, %slice3A_471 : vector<1024x128xf32>
    %get3A_473 = arith.constant 0 : index
    %get3A_474 = arith.constant 0 : index
    %get3A_475 = vector.load %arg10[%get3A_473, %get3A_474] : memref<1024x1xf32, #tpu.memory_space<vmem>>, vector<1024x1xf32>
    %add3A_476 = vector.broadcast %get3A_475 : vector<1024x1xf32> to vector<1024x128xf32>
    %add3A_477 = arith.addf %max3A_472, %add3A_476 : vector<1024x128xf32>
    %get3A_478 = arith.constant 0 : index
    %get3A_479 = arith.constant 0 : index
    %get3A_480 = vector.load %arg3[%get3A_478, %get3A_479] : memref<144x128xf32, #tpu.memory_space<vmem>>, vector<48x128xf32>
    %mul3A_481 = vector.broadcast %div3A_81 : vector<1x128xf32> to vector<48x128xf32>
    %mul3A_482 = arith.mulf %get3A_480, %mul3A_481 : vector<48x128xf32>
    %get3A_483 = arith.constant 48 : index
    %get3A_484 = arith.constant 0 : index
    %get3A_485 = vector.load %arg3[%get3A_483, %get3A_484] : memref<144x128xf32, #tpu.memory_space<vmem>>, vector<48x128xf32>
    %mul3A_486 = vector.broadcast %div3A_81 : vector<1x128xf32> to vector<48x128xf32>
    %mul3A_487 = arith.mulf %get3A_485, %mul3A_486 : vector<48x128xf32>
    %get3A_488 = arith.constant 96 : index
    %get3A_489 = arith.constant 0 : index
    %get3A_490 = vector.load %arg3[%get3A_488, %get3A_489] : memref<144x128xf32, #tpu.memory_space<vmem>>, vector<48x128xf32>
    %mul3A_491 = vector.broadcast %div3A_81 : vector<1x128xf32> to vector<48x128xf32>
    %mul3A_492 = arith.mulf %get3A_490, %mul3A_491 : vector<48x128xf32>
    %sub3A_493 = vector.broadcast %mul3A_134 : vector<1x128xf32> to vector<48x128xf32>
    %sub3A_494 = arith.subf %mul3A_482, %sub3A_493 : vector<48x128xf32>
    %sub3A_495 = vector.broadcast %mul3A_139 : vector<1x128xf32> to vector<48x128xf32>
    %sub3A_496 = arith.subf %mul3A_487, %sub3A_495 : vector<48x128xf32>
    %sub3A_497 = vector.broadcast %mul3A_144 : vector<1x128xf32> to vector<48x128xf32>
    %sub3A_498 = arith.subf %mul3A_492, %sub3A_497 : vector<48x128xf32>
    %mul3A_499 = vector.broadcast %mul3A_127 : vector<1x128xf32> to vector<48x128xf32>
    %mul3A_500 = arith.mulf %mul3A_499, %sub3A_494 : vector<48x128xf32>
    %mul3A_501 = vector.broadcast %mul3A_128 : vector<1x128xf32> to vector<48x128xf32>
    %mul3A_502 = arith.mulf %mul3A_501, %sub3A_496 : vector<48x128xf32>
    %add3A_503 = arith.addf %mul3A_500, %mul3A_502 : vector<48x128xf32>
    %mul3A_504 = vector.broadcast %mul3A_129 : vector<1x128xf32> to vector<48x128xf32>
    %mul3A_505 = arith.mulf %mul3A_504, %sub3A_498 : vector<48x128xf32>
    %add3A_506 = arith.addf %add3A_503, %mul3A_505 : vector<48x128xf32>
    %mul3A_507 = vector.broadcast %mul3A_127 : vector<1x128xf32> to vector<48x128xf32>
    %mul3A_508 = arith.mulf %mul3A_507, %add3A_506 : vector<48x128xf32>
    %sub3A_509 = arith.subf %mul3A_482, %mul3A_508 : vector<48x128xf32>
    %mul3A_510 = vector.broadcast %mul3A_128 : vector<1x128xf32> to vector<48x128xf32>
    %mul3A_511 = arith.mulf %mul3A_510, %add3A_506 : vector<48x128xf32>
    %sub3A_512 = arith.subf %mul3A_487, %mul3A_511 : vector<48x128xf32>
    %mul3A_513 = vector.broadcast %mul3A_129 : vector<1x128xf32> to vector<48x128xf32>
    %mul3A_514 = arith.mulf %mul3A_513, %add3A_506 : vector<48x128xf32>
    %sub3A_515 = arith.subf %mul3A_492, %mul3A_514 : vector<48x128xf32>
    %sub3A_516 = vector.broadcast %mul3A_85 : vector<1x128xf32> to vector<48x128xf32>
    %sub3A_517 = arith.subf %sub3A_516, %sub3A_509 : vector<48x128xf32>
    %sub3A_518 = vector.broadcast %mul3A_86 : vector<1x128xf32> to vector<48x128xf32>
    %sub3A_519 = arith.subf %sub3A_518, %sub3A_512 : vector<48x128xf32>
    %sub3A_520 = vector.broadcast %mul3A_87 : vector<1x128xf32> to vector<48x128xf32>
    %sub3A_521 = arith.subf %sub3A_520, %sub3A_515 : vector<48x128xf32>
    %sub3A_522 = vector.broadcast %mul3A_88 : vector<1x128xf32> to vector<48x128xf32>
    %sub3A_523 = arith.subf %sub3A_522, %sub3A_509 : vector<48x128xf32>
    %sub3A_524 = vector.broadcast %mul3A_89 : vector<1x128xf32> to vector<48x128xf32>
    %sub3A_525 = arith.subf %sub3A_524, %sub3A_512 : vector<48x128xf32>
    %sub3A_526 = vector.broadcast %mul3A_90 : vector<1x128xf32> to vector<48x128xf32>
    %sub3A_527 = arith.subf %sub3A_526, %sub3A_515 : vector<48x128xf32>
    %mul3A_528 = arith.mulf %sub3A_519, %sub3A_527 : vector<48x128xf32>
    %mul3A_529 = arith.mulf %sub3A_521, %sub3A_525 : vector<48x128xf32>
    %sub3A_530 = arith.subf %mul3A_528, %mul3A_529 : vector<48x128xf32>
    %mul3A_531 = arith.mulf %sub3A_521, %sub3A_523 : vector<48x128xf32>
    %mul3A_532 = arith.mulf %sub3A_517, %sub3A_527 : vector<48x128xf32>
    %sub3A_533 = arith.subf %mul3A_531, %mul3A_532 : vector<48x128xf32>
    %mul3A_534 = arith.mulf %sub3A_517, %sub3A_525 : vector<48x128xf32>
    %mul3A_535 = arith.mulf %sub3A_519, %sub3A_523 : vector<48x128xf32>
    %sub3A_536 = arith.subf %mul3A_534, %mul3A_535 : vector<48x128xf32>
    %mul3A_537 = vector.broadcast %mul3A_127 : vector<1x128xf32> to vector<48x128xf32>
    %mul3A_538 = arith.mulf %mul3A_537, %sub3A_530 : vector<48x128xf32>
    %mul3A_539 = vector.broadcast %mul3A_128 : vector<1x128xf32> to vector<48x128xf32>
    %mul3A_540 = arith.mulf %mul3A_539, %sub3A_533 : vector<48x128xf32>
    %add3A_541 = arith.addf %mul3A_538, %mul3A_540 : vector<48x128xf32>
    %mul3A_542 = vector.broadcast %mul3A_129 : vector<1x128xf32> to vector<48x128xf32>
    %mul3A_543 = arith.mulf %mul3A_542, %sub3A_536 : vector<48x128xf32>
    %add3A_544 = arith.addf %add3A_541, %mul3A_543 : vector<48x128xf32>
    %mul3A_545 = arith.constant 5.000000e-01 : f32
    %mul3A_546 = vector.broadcast %mul3A_545 : f32 to vector<48x128xf32>
    %mul3A_547 = arith.mulf %mul3A_546, %add3A_544 : vector<48x128xf32>
    %add3A_548 = arith.constant 3.33333332E-7 : f32
    %add3A_549 = vector.broadcast %add3A_548 : f32 to vector<48x128xf32>
    %add3A_550 = arith.addf %mul3A_547, %add3A_549 : vector<48x128xf32>
    %mul3A_551 = vector.broadcast %div3A_126 : vector<1x128xf32> to vector<48x128xf32>
    %mul3A_552 = arith.mulf %add3A_550, %mul3A_551 : vector<48x128xf32>
    %jit3A_553 = arith.constant -5.000000e+00 : f32
    %jit3A_554 = arith.constant 5.000000e+00 : f32
    %max3A_555 = vector.broadcast %jit3A_553 : f32 to vector<48x128xf32>
    %max3A_556 = arith.maximumf %max3A_555, %mul3A_552 : vector<48x128xf32>
    %min3A_557 = vector.broadcast %jit3A_554 : f32 to vector<48x128xf32>
    %min3A_558 = arith.minimumf %min3A_557, %max3A_556 : vector<48x128xf32>
    %sub3A_559 = vector.broadcast %mul3A_88 : vector<1x128xf32> to vector<48x128xf32>
    %sub3A_560 = arith.subf %sub3A_559, %sub3A_509 : vector<48x128xf32>
    %sub3A_561 = vector.broadcast %mul3A_89 : vector<1x128xf32> to vector<48x128xf32>
    %sub3A_562 = arith.subf %sub3A_561, %sub3A_512 : vector<48x128xf32>
    %sub3A_563 = vector.broadcast %mul3A_90 : vector<1x128xf32> to vector<48x128xf32>
    %sub3A_564 = arith.subf %sub3A_563, %sub3A_515 : vector<48x128xf32>
    %sub3A_565 = vector.broadcast %mul3A_82 : vector<1x128xf32> to vector<48x128xf32>
    %sub3A_566 = arith.subf %sub3A_565, %sub3A_509 : vector<48x128xf32>
    %sub3A_567 = vector.broadcast %mul3A_83 : vector<1x128xf32> to vector<48x128xf32>
    %sub3A_568 = arith.subf %sub3A_567, %sub3A_512 : vector<48x128xf32>
    %sub3A_569 = vector.broadcast %mul3A_84 : vector<1x128xf32> to vector<48x128xf32>
    %sub3A_570 = arith.subf %sub3A_569, %sub3A_515 : vector<48x128xf32>
    %mul3A_571 = arith.mulf %sub3A_562, %sub3A_570 : vector<48x128xf32>
    %mul3A_572 = arith.mulf %sub3A_564, %sub3A_568 : vector<48x128xf32>
    %sub3A_573 = arith.subf %mul3A_571, %mul3A_572 : vector<48x128xf32>
    %mul3A_574 = arith.mulf %sub3A_564, %sub3A_566 : vector<48x128xf32>
    %mul3A_575 = arith.mulf %sub3A_560, %sub3A_570 : vector<48x128xf32>
    %sub3A_576 = arith.subf %mul3A_574, %mul3A_575 : vector<48x128xf32>
    %mul3A_577 = arith.mulf %sub3A_560, %sub3A_568 : vector<48x128xf32>
    %mul3A_578 = arith.mulf %sub3A_562, %sub3A_566 : vector<48x128xf32>
    %sub3A_579 = arith.subf %mul3A_577, %mul3A_578 : vector<48x128xf32>
    %mul3A_580 = vector.broadcast %mul3A_127 : vector<1x128xf32> to vector<48x128xf32>
    %mul3A_581 = arith.mulf %mul3A_580, %sub3A_573 : vector<48x128xf32>
    %mul3A_582 = vector.broadcast %mul3A_128 : vector<1x128xf32> to vector<48x128xf32>
    %mul3A_583 = arith.mulf %mul3A_582, %sub3A_576 : vector<48x128xf32>
    %add3A_584 = arith.addf %mul3A_581, %mul3A_583 : vector<48x128xf32>
    %mul3A_585 = vector.broadcast %mul3A_129 : vector<1x128xf32> to vector<48x128xf32>
    %mul3A_586 = arith.mulf %mul3A_585, %sub3A_579 : vector<48x128xf32>
    %add3A_587 = arith.addf %add3A_584, %mul3A_586 : vector<48x128xf32>
    %mul3A_588 = arith.constant 5.000000e-01 : f32
    %mul3A_589 = vector.broadcast %mul3A_588 : f32 to vector<48x128xf32>
    %mul3A_590 = arith.mulf %mul3A_589, %add3A_587 : vector<48x128xf32>
    %add3A_591 = arith.constant 3.33333332E-7 : f32
    %add3A_592 = vector.broadcast %add3A_591 : f32 to vector<48x128xf32>
    %add3A_593 = arith.addf %mul3A_590, %add3A_592 : vector<48x128xf32>
    %mul3A_594 = vector.broadcast %div3A_126 : vector<1x128xf32> to vector<48x128xf32>
    %mul3A_595 = arith.mulf %add3A_593, %mul3A_594 : vector<48x128xf32>
    %jit3A_596 = arith.constant -5.000000e+00 : f32
    %jit3A_597 = arith.constant 5.000000e+00 : f32
    %max3A_598 = vector.broadcast %jit3A_596 : f32 to vector<48x128xf32>
    %max3A_599 = arith.maximumf %max3A_598, %mul3A_595 : vector<48x128xf32>
    %min3A_600 = vector.broadcast %jit3A_597 : f32 to vector<48x128xf32>
    %min3A_601 = arith.minimumf %min3A_600, %max3A_599 : vector<48x128xf32>
    %sub3A_602 = vector.broadcast %mul3A_82 : vector<1x128xf32> to vector<48x128xf32>
    %sub3A_603 = arith.subf %sub3A_602, %sub3A_509 : vector<48x128xf32>
    %sub3A_604 = vector.broadcast %mul3A_83 : vector<1x128xf32> to vector<48x128xf32>
    %sub3A_605 = arith.subf %sub3A_604, %sub3A_512 : vector<48x128xf32>
    %sub3A_606 = vector.broadcast %mul3A_84 : vector<1x128xf32> to vector<48x128xf32>
    %sub3A_607 = arith.subf %sub3A_606, %sub3A_515 : vector<48x128xf32>
    %sub3A_608 = vector.broadcast %mul3A_85 : vector<1x128xf32> to vector<48x128xf32>
    %sub3A_609 = arith.subf %sub3A_608, %sub3A_509 : vector<48x128xf32>
    %sub3A_610 = vector.broadcast %mul3A_86 : vector<1x128xf32> to vector<48x128xf32>
    %sub3A_611 = arith.subf %sub3A_610, %sub3A_512 : vector<48x128xf32>
    %sub3A_612 = vector.broadcast %mul3A_87 : vector<1x128xf32> to vector<48x128xf32>
    %sub3A_613 = arith.subf %sub3A_612, %sub3A_515 : vector<48x128xf32>
    %mul3A_614 = arith.mulf %sub3A_605, %sub3A_613 : vector<48x128xf32>
    %mul3A_615 = arith.mulf %sub3A_607, %sub3A_611 : vector<48x128xf32>
    %sub3A_616 = arith.subf %mul3A_614, %mul3A_615 : vector<48x128xf32>
    %mul3A_617 = arith.mulf %sub3A_607, %sub3A_609 : vector<48x128xf32>
    %mul3A_618 = arith.mulf %sub3A_603, %sub3A_613 : vector<48x128xf32>
    %sub3A_619 = arith.subf %mul3A_617, %mul3A_618 : vector<48x128xf32>
    %mul3A_620 = arith.mulf %sub3A_603, %sub3A_611 : vector<48x128xf32>
    %mul3A_621 = arith.mulf %sub3A_605, %sub3A_609 : vector<48x128xf32>
    %sub3A_622 = arith.subf %mul3A_620, %mul3A_621 : vector<48x128xf32>
    %mul3A_623 = vector.broadcast %mul3A_127 : vector<1x128xf32> to vector<48x128xf32>
    %mul3A_624 = arith.mulf %mul3A_623, %sub3A_616 : vector<48x128xf32>
    %mul3A_625 = vector.broadcast %mul3A_128 : vector<1x128xf32> to vector<48x128xf32>
    %mul3A_626 = arith.mulf %mul3A_625, %sub3A_619 : vector<48x128xf32>
    %add3A_627 = arith.addf %mul3A_624, %mul3A_626 : vector<48x128xf32>
    %mul3A_628 = vector.broadcast %mul3A_129 : vector<1x128xf32> to vector<48x128xf32>
    %mul3A_629 = arith.mulf %mul3A_628, %sub3A_622 : vector<48x128xf32>
    %add3A_630 = arith.addf %add3A_627, %mul3A_629 : vector<48x128xf32>
    %mul3A_631 = arith.constant 5.000000e-01 : f32
    %mul3A_632 = vector.broadcast %mul3A_631 : f32 to vector<48x128xf32>
    %mul3A_633 = arith.mulf %mul3A_632, %add3A_630 : vector<48x128xf32>
    %add3A_634 = arith.constant 3.33333332E-7 : f32
    %add3A_635 = vector.broadcast %add3A_634 : f32 to vector<48x128xf32>
    %add3A_636 = arith.addf %mul3A_633, %add3A_635 : vector<48x128xf32>
    %mul3A_637 = vector.broadcast %div3A_126 : vector<1x128xf32> to vector<48x128xf32>
    %mul3A_638 = arith.mulf %add3A_636, %mul3A_637 : vector<48x128xf32>
    %jit3A_639 = arith.constant -5.000000e+00 : f32
    %jit3A_640 = arith.constant 5.000000e+00 : f32
    %max3A_641 = vector.broadcast %jit3A_639 : f32 to vector<48x128xf32>
    %max3A_642 = arith.maximumf %max3A_641, %mul3A_638 : vector<48x128xf32>
    %min3A_643 = vector.broadcast %jit3A_640 : f32 to vector<48x128xf32>
    %min3A_644 = arith.minimumf %min3A_643, %max3A_642 : vector<48x128xf32>
    %mul3A_645 = vector.broadcast %div3A_151 : vector<1x128xf32> to vector<48x128xf32>
    %mul3A_646 = arith.mulf %mul3A_645, %sub3A_494 : vector<48x128xf32>
    %mul3A_647 = vector.broadcast %div3A_158 : vector<1x128xf32> to vector<48x128xf32>
    %mul3A_648 = arith.mulf %mul3A_647, %sub3A_496 : vector<48x128xf32>
    %add3A_649 = arith.addf %mul3A_646, %mul3A_648 : vector<48x128xf32>
    %mul3A_650 = vector.broadcast %div3A_165 : vector<1x128xf32> to vector<48x128xf32>
    %mul3A_651 = arith.mulf %mul3A_650, %sub3A_498 : vector<48x128xf32>
    %add3A_652 = arith.addf %add3A_649, %mul3A_651 : vector<48x128xf32>
    %mul3A_653 = vector.broadcast %div3A_181 : vector<1x128xf32> to vector<48x128xf32>
    %mul3A_654 = arith.mulf %mul3A_653, %sub3A_494 : vector<48x128xf32>
    %mul3A_655 = vector.broadcast %div3A_188 : vector<1x128xf32> to vector<48x128xf32>
    %mul3A_656 = arith.mulf %mul3A_655, %sub3A_496 : vector<48x128xf32>
    %add3A_657 = arith.addf %mul3A_654, %mul3A_656 : vector<48x128xf32>
    %mul3A_658 = vector.broadcast %div3A_195 : vector<1x128xf32> to vector<48x128xf32>
    %mul3A_659 = arith.mulf %mul3A_658, %sub3A_498 : vector<48x128xf32>
    %add3A_660 = arith.addf %add3A_657, %mul3A_659 : vector<48x128xf32>
    %slice3A_661 = vector.extract_strided_slice %add3A_652 {offsets = [0, 0], sizes = [16, 128], strides = [1, 1]} : vector<48x128xf32> to vector<16x128xf32>
    %slice3A_662 = vector.extract_strided_slice %add3A_652 {offsets = [16, 0], sizes = [16, 128], strides = [1, 1]} : vector<48x128xf32> to vector<16x128xf32>
    %min3A_663 = arith.minimumf %slice3A_661, %slice3A_662 : vector<16x128xf32>
    %slice3A_664 = vector.extract_strided_slice %add3A_652 {offsets = [32, 0], sizes = [16, 128], strides = [1, 1]} : vector<48x128xf32> to vector<16x128xf32>
    %min3A_665 = arith.minimumf %min3A_663, %slice3A_664 : vector<16x128xf32>
    %slice3A_666 = vector.extract_strided_slice %add3A_660 {offsets = [0, 0], sizes = [16, 128], strides = [1, 1]} : vector<48x128xf32> to vector<16x128xf32>
    %slice3A_667 = vector.extract_strided_slice %add3A_660 {offsets = [16, 0], sizes = [16, 128], strides = [1, 1]} : vector<48x128xf32> to vector<16x128xf32>
    %min3A_668 = arith.minimumf %slice3A_666, %slice3A_667 : vector<16x128xf32>
    %slice3A_669 = vector.extract_strided_slice %add3A_660 {offsets = [32, 0], sizes = [16, 128], strides = [1, 1]} : vector<48x128xf32> to vector<16x128xf32>
    %min3A_670 = arith.minimumf %min3A_668, %slice3A_669 : vector<16x128xf32>
    %slice3A_671 = vector.extract_strided_slice %add3A_506 {offsets = [0, 0], sizes = [16, 128], strides = [1, 1]} : vector<48x128xf32> to vector<16x128xf32>
    %slice3A_672 = vector.extract_strided_slice %add3A_506 {offsets = [16, 0], sizes = [16, 128], strides = [1, 1]} : vector<48x128xf32> to vector<16x128xf32>
    %min3A_673 = arith.minimumf %slice3A_671, %slice3A_672 : vector<16x128xf32>
    %slice3A_674 = vector.extract_strided_slice %add3A_506 {offsets = [32, 0], sizes = [16, 128], strides = [1, 1]} : vector<48x128xf32> to vector<16x128xf32>
    %min3A_675 = arith.minimumf %min3A_673, %slice3A_674 : vector<16x128xf32>
    %slice3A_676 = vector.extract_strided_slice %min3A_558 {offsets = [0, 0], sizes = [16, 128], strides = [1, 1]} : vector<48x128xf32> to vector<16x128xf32>
    %slice3A_677 = vector.extract_strided_slice %min3A_558 {offsets = [16, 0], sizes = [16, 128], strides = [1, 1]} : vector<48x128xf32> to vector<16x128xf32>
    %min3A_678 = arith.minimumf %slice3A_676, %slice3A_677 : vector<16x128xf32>
    %slice3A_679 = vector.extract_strided_slice %min3A_558 {offsets = [32, 0], sizes = [16, 128], strides = [1, 1]} : vector<48x128xf32> to vector<16x128xf32>
    %min3A_680 = arith.minimumf %min3A_678, %slice3A_679 : vector<16x128xf32>
    %slice3A_681 = vector.extract_strided_slice %min3A_601 {offsets = [0, 0], sizes = [16, 128], strides = [1, 1]} : vector<48x128xf32> to vector<16x128xf32>
    %slice3A_682 = vector.extract_strided_slice %min3A_601 {offsets = [16, 0], sizes = [16, 128], strides = [1, 1]} : vector<48x128xf32> to vector<16x128xf32>
    %min3A_683 = arith.minimumf %slice3A_681, %slice3A_682 : vector<16x128xf32>
    %slice3A_684 = vector.extract_strided_slice %min3A_601 {offsets = [32, 0], sizes = [16, 128], strides = [1, 1]} : vector<48x128xf32> to vector<16x128xf32>
    %min3A_685 = arith.minimumf %min3A_683, %slice3A_684 : vector<16x128xf32>
    %slice3A_686 = vector.extract_strided_slice %min3A_644 {offsets = [0, 0], sizes = [16, 128], strides = [1, 1]} : vector<48x128xf32> to vector<16x128xf32>
    %slice3A_687 = vector.extract_strided_slice %min3A_644 {offsets = [16, 0], sizes = [16, 128], strides = [1, 1]} : vector<48x128xf32> to vector<16x128xf32>
    %min3A_688 = arith.minimumf %slice3A_686, %slice3A_687 : vector<16x128xf32>
    %slice3A_689 = vector.extract_strided_slice %min3A_644 {offsets = [32, 0], sizes = [16, 128], strides = [1, 1]} : vector<48x128xf32> to vector<16x128xf32>
    %min3A_690 = arith.minimumf %min3A_688, %slice3A_689 : vector<16x128xf32>
    %slice3A_691 = vector.extract_strided_slice %add3A_652 {offsets = [0, 0], sizes = [16, 128], strides = [1, 1]} : vector<48x128xf32> to vector<16x128xf32>
    %slice3A_692 = vector.extract_strided_slice %add3A_652 {offsets = [16, 0], sizes = [16, 128], strides = [1, 1]} : vector<48x128xf32> to vector<16x128xf32>
    %max3A_693 = arith.maximumf %slice3A_691, %slice3A_692 : vector<16x128xf32>
    %slice3A_694 = vector.extract_strided_slice %add3A_652 {offsets = [32, 0], sizes = [16, 128], strides = [1, 1]} : vector<48x128xf32> to vector<16x128xf32>
    %max3A_695 = arith.maximumf %max3A_693, %slice3A_694 : vector<16x128xf32>
    %slice3A_696 = vector.extract_strided_slice %add3A_660 {offsets = [0, 0], sizes = [16, 128], strides = [1, 1]} : vector<48x128xf32> to vector<16x128xf32>
    %slice3A_697 = vector.extract_strided_slice %add3A_660 {offsets = [16, 0], sizes = [16, 128], strides = [1, 1]} : vector<48x128xf32> to vector<16x128xf32>
    %max3A_698 = arith.maximumf %slice3A_696, %slice3A_697 : vector<16x128xf32>
    %slice3A_699 = vector.extract_strided_slice %add3A_660 {offsets = [32, 0], sizes = [16, 128], strides = [1, 1]} : vector<48x128xf32> to vector<16x128xf32>
    %max3A_700 = arith.maximumf %max3A_698, %slice3A_699 : vector<16x128xf32>
    %slice3A_701 = vector.extract_strided_slice %add3A_506 {offsets = [0, 0], sizes = [16, 128], strides = [1, 1]} : vector<48x128xf32> to vector<16x128xf32>
    %slice3A_702 = vector.extract_strided_slice %add3A_506 {offsets = [16, 0], sizes = [16, 128], strides = [1, 1]} : vector<48x128xf32> to vector<16x128xf32>
    %max3A_703 = arith.maximumf %slice3A_701, %slice3A_702 : vector<16x128xf32>
    %slice3A_704 = vector.extract_strided_slice %add3A_506 {offsets = [32, 0], sizes = [16, 128], strides = [1, 1]} : vector<48x128xf32> to vector<16x128xf32>
    %max3A_705 = arith.maximumf %max3A_703, %slice3A_704 : vector<16x128xf32>
    %slice3A_706 = vector.extract_strided_slice %min3A_558 {offsets = [0, 0], sizes = [16, 128], strides = [1, 1]} : vector<48x128xf32> to vector<16x128xf32>
    %slice3A_707 = vector.extract_strided_slice %min3A_558 {offsets = [16, 0], sizes = [16, 128], strides = [1, 1]} : vector<48x128xf32> to vector<16x128xf32>
    %max3A_708 = arith.maximumf %slice3A_706, %slice3A_707 : vector<16x128xf32>
    %slice3A_709 = vector.extract_strided_slice %min3A_558 {offsets = [32, 0], sizes = [16, 128], strides = [1, 1]} : vector<48x128xf32> to vector<16x128xf32>
    %max3A_710 = arith.maximumf %max3A_708, %slice3A_709 : vector<16x128xf32>
    %slice3A_711 = vector.extract_strided_slice %min3A_601 {offsets = [0, 0], sizes = [16, 128], strides = [1, 1]} : vector<48x128xf32> to vector<16x128xf32>
    %slice3A_712 = vector.extract_strided_slice %min3A_601 {offsets = [16, 0], sizes = [16, 128], strides = [1, 1]} : vector<48x128xf32> to vector<16x128xf32>
    %max3A_713 = arith.maximumf %slice3A_711, %slice3A_712 : vector<16x128xf32>
    %slice3A_714 = vector.extract_strided_slice %min3A_601 {offsets = [32, 0], sizes = [16, 128], strides = [1, 1]} : vector<48x128xf32> to vector<16x128xf32>
    %max3A_715 = arith.maximumf %max3A_713, %slice3A_714 : vector<16x128xf32>
    %slice3A_716 = vector.extract_strided_slice %min3A_644 {offsets = [0, 0], sizes = [16, 128], strides = [1, 1]} : vector<48x128xf32> to vector<16x128xf32>
    %slice3A_717 = vector.extract_strided_slice %min3A_644 {offsets = [16, 0], sizes = [16, 128], strides = [1, 1]} : vector<48x128xf32> to vector<16x128xf32>
    %max3A_718 = arith.maximumf %slice3A_716, %slice3A_717 : vector<16x128xf32>
    %slice3A_719 = vector.extract_strided_slice %min3A_644 {offsets = [32, 0], sizes = [16, 128], strides = [1, 1]} : vector<48x128xf32> to vector<16x128xf32>
    %max3A_720 = arith.maximumf %max3A_718, %slice3A_719 : vector<16x128xf32>
    %get3A_721 = arith.constant 0 : index
    %get3A_722 = arith.constant 0 : index
    %get3A_723 = vector.load %arg4[%get3A_721, %get3A_722] : memref<16x128xf32, #tpu.memory_space<vmem>>, vector<16x128xf32>
    %reshape3A_724 = vector.shape_cast %min3A_665 : vector<16x128xf32> to vector<1x2048xf32>
    %reshape3A_725 = vector.shape_cast %min3A_670 : vector<16x128xf32> to vector<1x2048xf32>
    %reshape3A_726 = vector.shape_cast %min3A_675 : vector<16x128xf32> to vector<1x2048xf32>
    %reshape3A_727 = vector.shape_cast %min3A_680 : vector<16x128xf32> to vector<1x2048xf32>
    %reshape3A_728 = vector.shape_cast %min3A_685 : vector<16x128xf32> to vector<1x2048xf32>
    %reshape3A_729 = vector.shape_cast %min3A_690 : vector<16x128xf32> to vector<1x2048xf32>
    %reshape3A_730 = vector.shape_cast %max3A_695 : vector<16x128xf32> to vector<1x2048xf32>
    %reshape3A_731 = vector.shape_cast %max3A_700 : vector<16x128xf32> to vector<1x2048xf32>
    %reshape3A_732 = vector.shape_cast %max3A_705 : vector<16x128xf32> to vector<1x2048xf32>
    %reshape3A_733 = vector.shape_cast %max3A_710 : vector<16x128xf32> to vector<1x2048xf32>
    %reshape3A_734 = vector.shape_cast %max3A_715 : vector<16x128xf32> to vector<1x2048xf32>
    %reshape3A_735 = vector.shape_cast %max3A_720 : vector<16x128xf32> to vector<1x2048xf32>
    %reshape3A_736 = vector.shape_cast %get3A_723 : vector<16x128xf32> to vector<1x2048xf32>
    %concatenate3A_737 = tpu.concatenate %reshape3A_724, %reshape3A_725, %reshape3A_726, %reshape3A_727, %reshape3A_728, %reshape3A_729, %reshape3A_730, %reshape3A_731, %reshape3A_732, %reshape3A_733, %reshape3A_734, %reshape3A_735, %reshape3A_736 in 0 : vector<1x2048xf32>, vector<1x2048xf32>, vector<1x2048xf32>, vector<1x2048xf32>, vector<1x2048xf32>, vector<1x2048xf32>, vector<1x2048xf32>, vector<1x2048xf32>, vector<1x2048xf32>, vector<1x2048xf32>, vector<1x2048xf32>, vector<1x2048xf32>, vector<1x2048xf32> -> vector<13x2048xf32>
    %get3A_738 = arith.constant 0 : index
    %get3A_739 = arith.constant 0 : index
    %get3A_740 = vector.load %arg11[%get3A_738, %get3A_739] : memref<13x64xf32, #tpu.memory_space<vmem>>, vector<13x64xf32>
    %dot_general3A_741 = arith.constant dense<0.000000e+00> : vector<64x2048xf32>
    %dot_general3A_742 = tpu.matmul %get3A_740, %concatenate3A_737, %dot_general3A_741 {dimension_numbers = #tpu.dot_dimension_numbers<[0], [0], [1], [1], [0, 1, 1, 1], [], []>, transpose_lhs_hint = false} : vector<13x64xf32>, vector<13x2048xf32>, vector<64x2048xf32> -> vector<64x2048xf32>
    %get3A_743 = arith.constant 0 : index
    %get3A_744 = arith.constant 0 : index
    %get3A_745 = vector.load %arg12[%get3A_743, %get3A_744] : memref<64x1xf32, #tpu.memory_space<vmem>>, vector<64x1xf32>
    %add3A_746 = vector.broadcast %get3A_745 : vector<64x1xf32> to vector<64x2048xf32>
    %add3A_747 = arith.addf %dot_general3A_742, %add3A_746 : vector<64x2048xf32>
    %max3A_748 = arith.constant 0.000000e+00 : f32
    %max3A_749 = vector.broadcast %max3A_748 : f32 to vector<64x2048xf32>
    %max3A_750 = arith.maximumf %add3A_747, %max3A_749 : vector<64x2048xf32>
    %get3A_751 = arith.constant 0 : index
    %get3A_752 = arith.constant 0 : index
    %get3A_753 = vector.load %arg13[%get3A_751, %get3A_752] : memref<64x128xf32, #tpu.memory_space<vmem>>, vector<64x128xf32>
    %dot_general3A_754 = arith.constant dense<0.000000e+00> : vector<128x2048xf32>
    %dot_general3A_755 = tpu.matmul %get3A_753, %max3A_750, %dot_general3A_754 {dimension_numbers = #tpu.dot_dimension_numbers<[0], [0], [1], [1], [0, 1, 1, 1], [], []>, transpose_lhs_hint = false} : vector<64x128xf32>, vector<64x2048xf32>, vector<128x2048xf32> -> vector<128x2048xf32>
    %get3A_756 = arith.constant 0 : index
    %get3A_757 = arith.constant 0 : index
    %get3A_758 = vector.load %arg14[%get3A_756, %get3A_757] : memref<128x1xf32, #tpu.memory_space<vmem>>, vector<128x1xf32>
    %add3A_759 = vector.broadcast %get3A_758 : vector<128x1xf32> to vector<128x2048xf32>
    %add3A_760 = arith.addf %dot_general3A_755, %add3A_759 : vector<128x2048xf32>
    %max3A_761 = arith.constant 0.000000e+00 : f32
    %max3A_762 = vector.broadcast %max3A_761 : f32 to vector<128x2048xf32>
    %max3A_763 = arith.maximumf %add3A_760, %max3A_762 : vector<128x2048xf32>
    %get3A_764 = arith.constant 0 : index
    %get3A_765 = arith.constant 0 : index
    %get3A_766 = vector.load %arg15[%get3A_764, %get3A_765] : memref<128x1024xf32, #tpu.memory_space<vmem>>, vector<128x1024xf32>
    %dot_general3A_767 = arith.constant dense<0.000000e+00> : vector<1024x2048xf32>
    %dot_general3A_768 = tpu.matmul %get3A_766, %max3A_763, %dot_general3A_767 {dimension_numbers = #tpu.dot_dimension_numbers<[0], [0], [1], [1], [0, 1, 1, 1], [], []>, transpose_lhs_hint = false} : vector<128x1024xf32>, vector<128x2048xf32>, vector<1024x2048xf32> -> vector<1024x2048xf32>
    %slice3A_769 = vector.extract_strided_slice %dot_general3A_768 {offsets = [0, 0], sizes = [1024, 128], strides = [1, 1]} : vector<1024x2048xf32> to vector<1024x128xf32>
    %slice3A_770 = vector.extract_strided_slice %dot_general3A_768 {offsets = [0, 128], sizes = [1024, 128], strides = [1, 1]} : vector<1024x2048xf32> to vector<1024x128xf32>
    %max3A_771 = arith.maximumf %slice3A_769, %slice3A_770 : vector<1024x128xf32>
    %slice3A_772 = vector.extract_strided_slice %dot_general3A_768 {offsets = [0, 256], sizes = [1024, 128], strides = [1, 1]} : vector<1024x2048xf32> to vector<1024x128xf32>
    %max3A_773 = arith.maximumf %max3A_771, %slice3A_772 : vector<1024x128xf32>
    %slice3A_774 = vector.extract_strided_slice %dot_general3A_768 {offsets = [0, 384], sizes = [1024, 128], strides = [1, 1]} : vector<1024x2048xf32> to vector<1024x128xf32>
    %max3A_775 = arith.maximumf %max3A_773, %slice3A_774 : vector<1024x128xf32>
    %slice3A_776 = vector.extract_strided_slice %dot_general3A_768 {offsets = [0, 512], sizes = [1024, 128], strides = [1, 1]} : vector<1024x2048xf32> to vector<1024x128xf32>
    %max3A_777 = arith.maximumf %max3A_775, %slice3A_776 : vector<1024x128xf32>
    %slice3A_778 = vector.extract_strided_slice %dot_general3A_768 {offsets = [0, 640], sizes = [1024, 128], strides = [1, 1]} : vector<1024x2048xf32> to vector<1024x128xf32>
    %max3A_779 = arith.maximumf %max3A_777, %slice3A_778 : vector<1024x128xf32>
    %slice3A_780 = vector.extract_strided_slice %dot_general3A_768 {offsets = [0, 768], sizes = [1024, 128], strides = [1, 1]} : vector<1024x2048xf32> to vector<1024x128xf32>
    %max3A_781 = arith.maximumf %max3A_779, %slice3A_780 : vector<1024x128xf32>
    %slice3A_782 = vector.extract_strided_slice %dot_general3A_768 {offsets = [0, 896], sizes = [1024, 128], strides = [1, 1]} : vector<1024x2048xf32> to vector<1024x128xf32>
    %max3A_783 = arith.maximumf %max3A_781, %slice3A_782 : vector<1024x128xf32>
    %slice3A_784 = vector.extract_strided_slice %dot_general3A_768 {offsets = [0, 1024], sizes = [1024, 128], strides = [1, 1]} : vector<1024x2048xf32> to vector<1024x128xf32>
    %max3A_785 = arith.maximumf %max3A_783, %slice3A_784 : vector<1024x128xf32>
    %slice3A_786 = vector.extract_strided_slice %dot_general3A_768 {offsets = [0, 1152], sizes = [1024, 128], strides = [1, 1]} : vector<1024x2048xf32> to vector<1024x128xf32>
    %max3A_787 = arith.maximumf %max3A_785, %slice3A_786 : vector<1024x128xf32>
    %slice3A_788 = vector.extract_strided_slice %dot_general3A_768 {offsets = [0, 1280], sizes = [1024, 128], strides = [1, 1]} : vector<1024x2048xf32> to vector<1024x128xf32>
    %max3A_789 = arith.maximumf %max3A_787, %slice3A_788 : vector<1024x128xf32>
    %slice3A_790 = vector.extract_strided_slice %dot_general3A_768 {offsets = [0, 1408], sizes = [1024, 128], strides = [1, 1]} : vector<1024x2048xf32> to vector<1024x128xf32>
    %max3A_791 = arith.maximumf %max3A_789, %slice3A_790 : vector<1024x128xf32>
    %slice3A_792 = vector.extract_strided_slice %dot_general3A_768 {offsets = [0, 1536], sizes = [1024, 128], strides = [1, 1]} : vector<1024x2048xf32> to vector<1024x128xf32>
    %max3A_793 = arith.maximumf %max3A_791, %slice3A_792 : vector<1024x128xf32>
    %slice3A_794 = vector.extract_strided_slice %dot_general3A_768 {offsets = [0, 1664], sizes = [1024, 128], strides = [1, 1]} : vector<1024x2048xf32> to vector<1024x128xf32>
    %max3A_795 = arith.maximumf %max3A_793, %slice3A_794 : vector<1024x128xf32>
    %slice3A_796 = vector.extract_strided_slice %dot_general3A_768 {offsets = [0, 1792], sizes = [1024, 128], strides = [1, 1]} : vector<1024x2048xf32> to vector<1024x128xf32>
    %max3A_797 = arith.maximumf %max3A_795, %slice3A_796 : vector<1024x128xf32>
    %slice3A_798 = vector.extract_strided_slice %dot_general3A_768 {offsets = [0, 1920], sizes = [1024, 128], strides = [1, 1]} : vector<1024x2048xf32> to vector<1024x128xf32>
    %max3A_799 = arith.maximumf %max3A_797, %slice3A_798 : vector<1024x128xf32>
    %get3A_800 = arith.constant 0 : index
    %get3A_801 = arith.constant 0 : index
    %get3A_802 = vector.load %arg16[%get3A_800, %get3A_801] : memref<1024x1xf32, #tpu.memory_space<vmem>>, vector<1024x1xf32>
    %add3A_803 = vector.broadcast %get3A_802 : vector<1024x1xf32> to vector<1024x128xf32>
    %add3A_804 = arith.addf %max3A_799, %add3A_803 : vector<1024x128xf32>
    %concatenate3A_805 = tpu.concatenate %add3A_477, %add3A_804 in 0 : vector<1024x128xf32>, vector<1024x128xf32> -> vector<2048x128xf32>
    %get3A_806 = arith.constant 0 : index
    %get3A_807 = arith.constant 0 : index
    %get3A_808 = vector.load %arg17[%get3A_806, %get3A_807] : memref<2048x512xf32, #tpu.memory_space<vmem>>, vector<2048x512xf32>
    %dot_general3A_809 = arith.constant dense<0.000000e+00> : vector<512x128xf32>
    %dot_general3A_810 = tpu.matmul %get3A_808, %concatenate3A_805, %dot_general3A_809 {dimension_numbers = #tpu.dot_dimension_numbers<[0], [0], [1], [1], [0, 1, 1, 1], [], []>, transpose_lhs_hint = false} : vector<2048x512xf32>, vector<2048x128xf32>, vector<512x128xf32> -> vector<512x128xf32>
    %get3A_811 = arith.constant 0 : index
    %get3A_812 = arith.constant 0 : index
    %get3A_813 = vector.load %arg18[%get3A_811, %get3A_812] : memref<512x1xf32, #tpu.memory_space<vmem>>, vector<512x1xf32>
    %add3A_814 = vector.broadcast %get3A_813 : vector<512x1xf32> to vector<512x128xf32>
    %add3A_815 = arith.addf %dot_general3A_810, %add3A_814 : vector<512x128xf32>
    %max3A_816 = arith.constant 0.000000e+00 : f32
    %max3A_817 = vector.broadcast %max3A_816 : f32 to vector<512x128xf32>
    %max3A_818 = arith.maximumf %add3A_815, %max3A_817 : vector<512x128xf32>
    %get3A_819 = arith.constant 0 : index
    %get3A_820 = arith.constant 0 : index
    %get3A_821 = vector.load %arg19[%get3A_819, %get3A_820] : memref<512x256xf32, #tpu.memory_space<vmem>>, vector<512x256xf32>
    %dot_general3A_822 = arith.constant dense<0.000000e+00> : vector<256x128xf32>
    %dot_general3A_823 = tpu.matmul %get3A_821, %max3A_818, %dot_general3A_822 {dimension_numbers = #tpu.dot_dimension_numbers<[0], [0], [1], [1], [0, 1, 1, 1], [], []>, transpose_lhs_hint = false} : vector<512x256xf32>, vector<512x128xf32>, vector<256x128xf32> -> vector<256x128xf32>
    %get3A_824 = arith.constant 0 : index
    %get3A_825 = arith.constant 0 : index
    %get3A_826 = vector.load %arg20[%get3A_824, %get3A_825] : memref<256x1xf32, #tpu.memory_space<vmem>>, vector<256x1xf32>
    %add3A_827 = vector.broadcast %get3A_826 : vector<256x1xf32> to vector<256x128xf32>
    %add3A_828 = arith.addf %dot_general3A_823, %add3A_827 : vector<256x128xf32>
    %max3A_829 = arith.constant 0.000000e+00 : f32
    %max3A_830 = vector.broadcast %max3A_829 : f32 to vector<256x128xf32>
    %max3A_831 = arith.maximumf %add3A_828, %max3A_830 : vector<256x128xf32>
    %get3A_832 = arith.constant 0 : index
    %get3A_833 = arith.constant 0 : index
    %get3A_834 = vector.load %arg21[%get3A_832, %get3A_833] : memref<256x1xf32, #tpu.memory_space<vmem>>, vector<256x1xf32>
    %dot_general3A_835 = arith.constant dense<0.000000e+00> : vector<1x128xf32>
    %dot_general3A_836 = tpu.matmul %get3A_834, %max3A_831, %dot_general3A_835 {dimension_numbers = #tpu.dot_dimension_numbers<[0], [0], [1], [1], [0, 1, 1, 1], [], []>, transpose_lhs_hint = false} : vector<256x1xf32>, vector<256x128xf32>, vector<1x128xf32> -> vector<1x128xf32>
    %get3A_837 = arith.constant 0 : index
    %get3A_838 = arith.constant 0 : index
    %get3A_839 = vector.load %arg22[%get3A_837, %get3A_838] : memref<1x1xf32, #tpu.memory_space<vmem>>, vector<1x1xf32>
    %add3A_840 = vector.broadcast %get3A_839 : vector<1x1xf32> to vector<1x128xf32>
    %add3A_841 = arith.addf %dot_general3A_836, %add3A_840 : vector<1x128xf32>
    %logistic3A = arith.negf %add3A_841 : vector<1x128xf32>
    %logistic3A_842 = math.exp %logistic3A : vector<1x128xf32>
    %logistic3A_843 = arith.constant 1.000000e+00 : f32
    %logistic3A_844 = vector.broadcast %logistic3A_843 : f32 to vector<1x128xf32>
    %logistic3A_845 = arith.addf %logistic3A_844, %logistic3A_842 : vector<1x128xf32>
    %logistic3A_846 = arith.divf %logistic3A_844, %logistic3A_845 : vector<1x128xf32>
    %mul3A_847 = arith.constant 0.999899983 : f32
    %mul3A_848 = vector.broadcast %mul3A_847 : f32 to vector<1x128xf32>
    %mul3A_849 = arith.mulf %mul3A_848, %logistic3A_846 : vector<1x128xf32>
    %add3A_850 = arith.constant 5.000000e-05 : f32
    %add3A_851 = vector.broadcast %add3A_850 : f32 to vector<1x128xf32>
    %add3A_852 = arith.addf %mul3A_849, %add3A_851 : vector<1x128xf32>
    %swap3A = arith.constant 0 : index
    %swap3A_853 = arith.constant 0 : index
    %swap3A_854 = vector.load %arg23[%swap3A, %swap3A_853] : memref<1x128xf32, #tpu.memory_space<vmem>>, vector<1x128xf32>
    tpu.vector_store %arg23[%swap3A, %swap3A_853], %add3A_852 {strides = array<i32>} : memref<1x128xf32, #tpu.memory_space<vmem>>, vector<1x128xf32>,
    return
  }
  func.func @transform_0(%arg0: i32) -> (i32, i32) {
    %c0_i32 = arith.constant 0 : i32
    %c0_i32_0 = arith.constant 0 : i32
    return %c0_i32, %arg0 : i32, i32
  }
  func.func @transform_1(%arg0: i32) -> (i32, i32) {
    %c0_i32 = arith.constant 0 : i32
    %c0_i32_0 = arith.constant 0 : i32
    return %c0_i32, %arg0 : i32, i32
  }
  func.func @transform_2(%arg0: i32) -> (i32, i32) {
    %c0_i32 = arith.constant 0 : i32
    %c0_i32_0 = arith.constant 0 : i32
    return %c0_i32, %arg0 : i32, i32
  }
  func.func @transform_3(%arg0: i32) -> (i32, i32) {
    %c0_i32 = arith.constant 0 : i32
    %c0_i32_0 = arith.constant 0 : i32
    return %c0_i32, %arg0 : i32, i32
  }
  func.func @transform_4(%arg0: i32) -> (i32, i32) {
    %c0_i32 = arith.constant 0 : i32
    %c0_i32_0 = arith.constant 0 : i32
    %c0_i32_1 = arith.constant 0 : i32
    return %c0_i32, %c0_i32_0 : i32, i32
  }
  func.func @transform_5(%arg0: i32) -> (i32, i32) {
    %c0_i32 = arith.constant 0 : i32
    %c0_i32_0 = arith.constant 0 : i32
    %c0_i32_1 = arith.constant 0 : i32
    return %c0_i32, %c0_i32_0 : i32, i32
  }
  func.func @transform_6(%arg0: i32) -> (i32, i32) {
    %c0_i32 = arith.constant 0 : i32
    %c0_i32_0 = arith.constant 0 : i32
    %c0_i32_1 = arith.constant 0 : i32
    return %c0_i32, %c0_i32_0 : i32, i32
  }
  func.func @transform_7(%arg0: i32) -> (i32, i32) {
    %c0_i32 = arith.constant 0 : i32
    %c0_i32_0 = arith.constant 0 : i32
    %c0_i32_1 = arith.constant 0 : i32
    return %c0_i32, %c0_i32_0 : i32, i32
  }
  func.func @transform_8(%arg0: i32) -> (i32, i32) {
    %c0_i32 = arith.constant 0 : i32
    %c0_i32_0 = arith.constant 0 : i32
    %c0_i32_1 = arith.constant 0 : i32
    return %c0_i32, %c0_i32_0 : i32, i32
  }
  func.func @transform_9(%arg0: i32) -> (i32, i32) {
    %c0_i32 = arith.constant 0 : i32
    %c0_i32_0 = arith.constant 0 : i32
    %c0_i32_1 = arith.constant 0 : i32
    return %c0_i32, %c0_i32_0 : i32, i32
  }
  func.func @transform_10(%arg0: i32) -> (i32, i32) {
    %c0_i32 = arith.constant 0 : i32
    %c0_i32_0 = arith.constant 0 : i32
    %c0_i32_1 = arith.constant 0 : i32
    return %c0_i32, %c0_i32_0 : i32, i32
  }
  func.func @transform_11(%arg0: i32) -> (i32, i32) {
    %c0_i32 = arith.constant 0 : i32
    %c0_i32_0 = arith.constant 0 : i32
    %c0_i32_1 = arith.constant 0 : i32
    return %c0_i32, %c0_i32_0 : i32, i32
  }
  func.func @transform_12(%arg0: i32) -> (i32, i32) {
    %c0_i32 = arith.constant 0 : i32
    %c0_i32_0 = arith.constant 0 : i32
    %c0_i32_1 = arith.constant 0 : i32
    return %c0_i32, %c0_i32_0 : i32, i32
  }
  func.func @transform_13(%arg0: i32) -> (i32, i32) {
    %c0_i32 = arith.constant 0 : i32
    %c0_i32_0 = arith.constant 0 : i32
    %c0_i32_1 = arith.constant 0 : i32
    return %c0_i32, %c0_i32_0 : i32, i32
  }
  func.func @transform_14(%arg0: i32) -> (i32, i32) {
    %c0_i32 = arith.constant 0 : i32
    %c0_i32_0 = arith.constant 0 : i32
    %c0_i32_1 = arith.constant 0 : i32
    return %c0_i32, %c0_i32_0 : i32, i32
  }
  func.func @transform_15(%arg0: i32) -> (i32, i32) {
    %c0_i32 = arith.constant 0 : i32
    %c0_i32_0 = arith.constant 0 : i32
    %c0_i32_1 = arith.constant 0 : i32
    return %c0_i32, %c0_i32_0 : i32, i32
  }
  func.func @transform_16(%arg0: i32) -> (i32, i32) {
    %c0_i32 = arith.constant 0 : i32
    %c0_i32_0 = arith.constant 0 : i32
    %c0_i32_1 = arith.constant 0 : i32
    return %c0_i32, %c0_i32_0 : i32, i32
  }
  func.func @transform_17(%arg0: i32) -> (i32, i32) {
    %c0_i32 = arith.constant 0 : i32
    %c0_i32_0 = arith.constant 0 : i32
    %c0_i32_1 = arith.constant 0 : i32
    return %c0_i32, %c0_i32_0 : i32, i32
  }
  func.func @transform_18(%arg0: i32) -> (i32, i32) {
    %c0_i32 = arith.constant 0 : i32
    %c0_i32_0 = arith.constant 0 : i32
    %c0_i32_1 = arith.constant 0 : i32
    return %c0_i32, %c0_i32_0 : i32, i32
  }
  func.func @transform_19(%arg0: i32) -> (i32, i32) {
    %c0_i32 = arith.constant 0 : i32
    %c0_i32_0 = arith.constant 0 : i32
    %c0_i32_1 = arith.constant 0 : i32
    return %c0_i32, %c0_i32_0 : i32, i32
  }
  func.func @transform_20(%arg0: i32) -> (i32, i32) {
    %c0_i32 = arith.constant 0 : i32
    %c0_i32_0 = arith.constant 0 : i32
    %c0_i32_1 = arith.constant 0 : i32
    return %c0_i32, %c0_i32_0 : i32, i32
  }
  func.func @transform_21(%arg0: i32) -> (i32, i32) {
    %c0_i32 = arith.constant 0 : i32
    %c0_i32_0 = arith.constant 0 : i32
    %c0_i32_1 = arith.constant 0 : i32
    return %c0_i32, %c0_i32_0 : i32, i32
  }
  func.func @transform_22(%arg0: i32) -> (i32, i32) {
    %c0_i32 = arith.constant 0 : i32
    %c0_i32_0 = arith.constant 0 : i32
    return %c0_i32, %arg0 : i32, i32
  }
}

</mosaic_0001>

<sc_bundles>
// kernel: kernel.4.cloned.1.call-start
scs
__scs_entry_jumppad:
0x0: {  	(pc) =	sbr.rel $0x88, $3  }
0x1: {  	(tag) =	ssettag $0x0;
	lr =	simm.s32 $0x1  }
0x2: {  	[smem:$0x3F89] =	sst lr;
	_ =	strace $0xD0000000  }
0x3: {  	_ = 	snop  }
0x4: {  	_ = 	snop  }
0x5: {  	_ = 	snop  }
0x6: {  	_ = 	snop  }
0x7: {  	_ = 	snop  }
__scs_overlays_trampoline_lowered:
0x8: {  	[smem:$0x3F98] =	sst s0  }
0x9: {  	[smem:$0x3F99] =	sst s1  }
0xa: {  	[smem:$0x3F9A] =	sst s2  }
0xb: {  	[smem:$0x3F9B] =	sst s3  }
0xc: {  	[smem:$0x3F9C] =	sst s4  }
0xd: {  	[smem:$0x3F9D] =	sst s5  }
0xe: {  	[smem:$0x3F9E] =	sst s6  }
0xf: {  	[smem:$0x3F9F] =	sst s7  }
0x10: {  	[smem:$0x3FA0] =	sst s8  }
0x11: {  	[smem:$0x3FA1] =	sst s9;
	s0 =	simm.s32 @!p0 $0x0  }
0x12: {  	s1 =	sld [smem:$0x3F87];
	s0 =	simm.s32 @p0 $0x1  }
0x13: {  	[smem:$0x3FA2] =	sst s0;
	s0 =	simm.s32 @!p1 $0x0  }
0x14: {  	s2 =	sld [smem:$0x3F86];
	s0 =	simm.s32 @p1 $0x1  }
0x15: {  	[smem:$0x3FA3] =	sst s0;
	s0 =	simm.s32 @!p2 $0x0  }
0x16: {  	s3 =	sld [smem:$0x3FDB];
	s0 =	simm.s32 @p2 $0x1  }
0x17: {  	s4 =	simm.s32 $0x1BF5;
	[smem:$0x3FA5] =	sst s0  }
0x18: {  	s0 =	sld [smem:$0x3F88];
	_ =	swait.ge [sflag:s4], $0x0  }
0x19: {  	s7 =	sld [smem:$0x3F89]  }
0x1a: {  	s8 =	sadd.s32 $0xFFFFE003, lr  }
0x1b: {  	s9 =	sadd.s32 $0xFFFFFEF7, lr;
	s5 =	simm.s32 $0xFFFFFFFF;
	p2 =	slt.u32 s8, $0xFFFFF086  }
0x1c: {  	p1 =	slt.u32 s9, $0xF7A;
	s5 =	simm.s32 @!p2 $0x0  }
0x1d: {  	s5 =	simm.s32 @p1 $0x1;
	p0 =	seq.s32 s7, s2  }
0x1e: {  	s7 =	smul.u32 @!p0 $0xF7A, s2;
	p2 =	seq.s32 @!p0 s5, $0x0  }
0x1f: {  	s9 =	smul.u32 $0xF7A, s1;
	s8 =	simm.s32 @!p0 $0x1BF5;
	p2 =	por !p2, p0  }
0x20: {  	[sflag:s8] =	ssyncset.s32 @!p0 $0xFFFFF086;
	s6 =	sadd.s32 @!p0 s3, s7;
	s7 =	simm.s32 @!p0 $0x108  }
0x21: {  	s3 =	sadd.s32 s3, s9;
	s6 =	sadd.s32 @!p0 $0x88, s6;
	s7 =	simm.s32 @p2 $0x1082  }
0x22: {  	[simem:s7], [sflag:s8] =	dma.local @!p0 [hbm:s6], $0xF7A  }
0x23: {  	s9 =	sor.u32 $0xD0000000, s2;
	s6 =	simm.s32 $0x108;
	_ =	swait.ge @!p0 [sflag:s8], $0x0  }
0x24: {  	s3 =	sadd.s32 $0x88, s3;
	s6 =	simm.s32 @!p1 $0x1082;
	[sflag:s4] =	ssyncset.s32 $0xFFFFF086  }
0x25: {  	[simem:s6], [sflag:s4] =	dma.local [hbm:s3], $0xF7A  }
0x26: {  	[smem:$0x3F89] =	sst s1;
	(tag) =	ssettag s2;
	_ =	strace s9  }
0x27: {  	s1 =	sld [smem:$0x3F99]  }
0x28: {  	s2 =	sld [smem:$0x3F9A]  }
0x29: {  	s4 =	sld [smem:$0x3F9C]  }
0x2a: {  	p0 =	seq.s32 s5, $0x0;
	s5 =	sld [smem:$0x3F9D]  }
0x2b: {  	s6 =	sld [smem:$0x3F9E]  }
0x2c: {  	s7 =	sld [smem:$0x3F9F]  }
0x2d: {  	s3 =	simm.s32 $0x108;
	s8 =	sld [smem:$0x3FA0]  }
0x2e: {  	s3 =	simm.s32 @!p0 $0x1082;
	s9 =	sld [smem:$0x3FA1]  }
0x2f: {  	lr =	sadd.s32 s0, s3;
	s0 =	sld [smem:$0x3F98]  }
0x30: {  	s3 =	sld [smem:$0x3F9B]  }
0x31: {  	[smem:$0x3FA4] =	sst s10  }
0x32: {  	s10 =	sld [smem:$0x3FA2];
	_ =	sdelay $0x3  }
0x33: {  	p0 =	seq.s32 s10, $0x1;
	s10 =	sld [smem:$0x3FA4];
	_ =	sdelay $0x3  }
0x34: {  	[smem:$0x3FA4] =	sst s10  }
0x35: {  	s10 =	sld [smem:$0x3FA3];
	_ =	sdelay $0x3  }
0x36: {  	p1 =	seq.s32 s10, $0x1;
	s10 =	sld [smem:$0x3FA4];
	_ =	sdelay $0x3  }
0x37: {  	[smem:$0x3FA4] =	sst s10  }
0x38: {  	s10 =	sld [smem:$0x3FA5]  }
0x39: {  	_ = 	snop;
	(pc) =	sbr.ind lr, $3  }
0x3a: {  	_ = 	snop  }
0x3b: {  	_ = 	snop  }
0x3c: {  	p2 =	seq.s32 s10, $0x1;
	s10 =	sld [smem:$0x3FA4]  }
0x3d: {  	_ =	shalt  }
0x3e: {  	_ =	shalt  }
0x3f: {  	_ =	shalt  }
0x40: {  	_ =	shalt  }
0x41: {  	_ =	shalt  }
0x42: {  	_ =	shalt  }
0x43: {  	_ =	shalt  }
0x44: {  	_ =	shalt  }
0x45: {  	_ =	shalt  }
0x46: {  	_ =	shalt  }
0x47: {  	_ =	shalt  }
0x48: {  	_ =	shalt  }
0x49: {  	_ =	shalt  }
0x4a: {  	_ =	shalt  }
0x4b: {  	_ =	shalt  }
0x4c: {  	_ =	shalt  }
0x4d: {  	_ =	shalt  }
0x4e: {  	_ =	shalt  }
0x4f: {  	_ =	shalt  }
0x50: {  	_ =	shalt  }
0x51: {  	_ =	shalt  }
0x52: {  	_ =	shalt  }
0x53: {  	_ =	shalt  }
0x54: {  	_ =	shalt  }
0x55: {  	_ =	shalt  }
0x56: {  	_ =	shalt  }
0x57: {  	_ =	shalt  }
0x58: {  	_ =	shalt  }
0x59: {  	_ =	shalt  }
0x5a: {  	_ =	shalt  }
0x5b: {  	_ =	shalt  }
0x5c: {  	_ =	shalt  }
0x5d: {  	_ =	shalt  }
0x5e: {  	_ =	shalt  }
0x5f: {  	_ =	shalt  }
0x60: {  	_ =	shalt  }
0x61: {  	_ =	shalt  }
0x62: {  	_ =	shalt  }
0x63: {  	_ =	shalt  }
0x64: {  	_ =	shalt  }
0x65: {  	_ =	shalt  }
0x66: {  	_ =	shalt  }
0x67: {  	_ =	shalt  }
0x68: {  	_ =	shalt  }
0x69: {  	_ =	shalt  }
0x6a: {  	_ =	shalt  }
0x6b: {  	_ =	shalt  }
0x6c: {  	_ =	shalt  }
0x6d: {  	_ =	shalt  }
0x6e: {  	_ =	shalt  }
0x6f: {  	_ =	shalt  }
0x70: {  	_ =	shalt  }
0x71: {  	_ =	shalt  }
0x72: {  	_ =	shalt  }
0x73: {  	_ =	shalt  }
0x74: {  	_ =	shalt  }
0x75: {  	_ =	shalt  }
0x76: {  	_ =	shalt  }
0x77: {  	_ =	shalt  }
0x78: {  	_ =	shalt  }
0x79: {  	_ =	shalt  }
0x7a: {  	_ =	shalt  }
0x7b: {  	_ =	shalt  }
0x7c: {  	_ =	shalt  }
0x7d: {  	_ =	shalt  }
0x7e: {  	_ =	shalt  }
0x7f: {  	_ =	shalt  }
0x80: {  	_ =	shalt  }
0x81: {  	_ =	shalt  }
0x82: {  	_ =	shalt  }
0x83: {  	_ =	shalt  }
0x84: {  	_ =	shalt  }
0x85: {  	_ =	shalt  }
0x86: {  	_ =	shalt  }
0x87: {  	_ =	shalt  }
.Lfunc_end0:
.L_simem_size_0:
called_computation_lowered:
.L_overlay_start_0:
0x88: {  	s2 =	sld [smem:$0x3FD9]  }
0x89: {  	s3 =	sld [smem:$0x3FFE];
	_ =	sdelay $0x1  }
0x8a: {  	s1 =	srdreg.scid  }
0x8b: {  	s0 =	sand.u32 $0x1, s1  }
0x8c: {  	s16 =	sshll.u32 s0, $0xA;
	s2 =	sadd.s32 s3, s2  }
0x8d: {  	s2 =	sadd.s32 s2, s16  }
0x8e: {  	[smem:$0x3FB0] =	sst s2  }
0x8f: {  	_ = 	snop  }
0x90: {  	(tm) =	ssettm $0x1  }
0x91: {  	s17 =	sld [smem:$0x3FFB];
	_ =	sdelay $0x3  }
0x92: {  	_ =	strace s17  }
0x93: {  	s2 =	sld [smem:$0x3FFC];
	_ =	sdelay $0x3  }
0x94: {  	_ =	strace s2  }
0x95: {  	s2 =	sld [smem:$0x3FFD];
	_ =	sdelay $0x3  }
0x96: {  	_ =	strace s2  }
0x97: {  	_ =	strace $0x8FFFFFFF  }
0x98: {  	s18 =	sld [smem:$0x3FDB];
	_ =	sdelay $0x1  }
0x99: {  	s19 =	simm.s32 $_scs_section_size  }
0x9a: {  	s4 =	simm.s32 $_size__tile_overlayer_lowered;
	s5 =	simm.s32 $_tile_overlayer_lowered  }
0x9b: {  	s22 =	simm.s32 $0x1BFF;
	s21 =	sshll.u32 s5, $0x1;
	s2 =	sadd.s32 s19, s18  }
0x9c: {  	s6 =	simm.s32 $0x0;
	s20 =	sshll.u32 s4, $0x1;
	s4 =	sadd.s32 s21, s2  }
0x9d: {  	[timem:s6], [sflag:s22] =	dma.local [hbm:s4], s20  }
0x9e: {  	_ =	swait.ge [sflag:s22], s20  }
0x9f: {  	s3 =	ssub.s32 $0x0, s20;
	[sflag:s22] =	ssyncset.done $0x0  }
0xa0: {  	[sflag:s22] =	ssyncadd.s32 s3;
	_ =	sdelay $0x1  }
0xa1: {  	s23 =	simm.s32 $0x1B8B  }
0xa2: {  	_ =	swait.ge [sflag:s23], $0x1  }
0xa3: {  	[sflag:s23] =	ssyncset.done $0x0  }
0xa4: {  	s25 =	simm.s32 $0x1B8E;
	s24 =	sld [smem:$0x3FFE];
	[sflag:s23] =	ssyncadd.s32 $0xFFFFFFFF  }
0xa5: {  	s26 =	simm.s32 $execute0_lowered;
	[smem:$0x3FD2] =	sst s25  }
0xa6: {  	s4 =	sshll.u32 s26, $0x1;
	_ =	strace $0x80000046;
	[dreg:$0x1] =	wrdreg $0xFFFFFFFF  }
0xa7: {  	s28 =	simm.s32 $_size_execute0_lowered;
	s2 =	sadd.s32 s2, s4;
	[dreg:$0x0] =	wrdreg $0x0  }
0xa8: {  	s4 =	sshll.u32 s28, $0x1;
	[dreg:$0x2] =	wrdreg s2  }
0xa9: {  	[dreg:$0x3] =	wrdreg s4  }
0xaa: {  	[dreg:$0x4] =	wrdreg $0xC0  }
0xab: {  	_ =	task [dreg:s6], $0x5FFFF  }
0xac: {  	[dreg:$0x1] =	wrdreg $0xFFFFFFFF  }
0xad: {  	[dreg:$0x0] =	wrdreg $0x60  }
0xae: {  	[dreg:$0x2] =	wrdreg s24  }
0xaf: {  	[dreg:$0x3] =	wrdreg $0x9  }
0xb0: {  	_ =	task.clear_ibuf [dreg:s6], $0x4FFFF;
	_ =	strace $0x90000046  }
0xb1: {  	s29 =	simm.s32 $0x9;
	_ =	strace $0x80000048  }
0xb2: {  	_ =	swait.ge [sflag:s29], $0x1  }
0xb3: {  	[sflag:s29] =	ssyncadd.s32 $0xFFFFFFFF  }
0xb4: {  	_ =	strace $0x90000048  }
0xb5: {  	_ =	sfence  }
0xb6: {  	s30 =	sld [smem:$0x0];
	_ =	sdelay $0x2  }
0xb7: {  	s31 =	sshll.u32 s1, $0xD;
	s1 =	sshrl.u32 s1, $0x2  }
0xb8: {  	s3 =	sand.u32 $0x4000, s31;
	s1 =	sadd.s32 s1, s30  }
0xb9: {  	s0 =	sor.u32 s3, s0;
	s1 =	sshll.u32 s1, $0x11  }
0xba: {  	s0 =	sor.u32 s1, s0  }
0xbb: {  	s0 =	sadd.s32 $0x8F2B, s0  }
0xbc: {  	[sflag:s0] =	ssyncadd.remote.s32 $0x1  }
0xbd: {  	_ =	sfence.sel $0xFFFF  }
0xbe: {  	[dreg:$0x0] =	wrdreg $0xFFFFFFFF;
	(pc) =	sbr.abs _section_cstart, $3  }
0xbf: {  	[dreg:$0x1] =	wrdreg $0xFFFFFFFF  }
0xc0: {  	_ =	task.clear_ibuf [dreg:s6], $0x2FFFF;
	_ =	strace $0x9FFFFFFF  }
0xc1: {  	(tm) =	ssettm $0x7FFFFFFF  }
tec
execute0_lowered:
.L_overlay_start_1:
0x0: {  	(tag) =	ssettag $0x1  }
0x1: {  	s1 =	srdreg.scid;
	s0 =	stileid.u32  }
0x2: {  	s13 =	sand.u32 $0x1, s1;
	s30 =	sshll.u32 s0, $0x1  }
0x3: {  	s14 =	rddreg [dreg:$0x0];
	s15 =	sor.u32 s13, s30  }
0x4: {  	s2 =	simm.s32 $0x0;
	s1 =	rddreg [dreg:$0x1];
	s3 =	sshll.u32 s15, $0x7  }
0x5: {  	[smem:$0x7FF] =	sst s2;
	s3 =	sadd.s32 s3, s14  }
0x6: {  	_ =	strace $0x80000047;
	s4 =	sadd.s32 $0x2E400, s3;
	s3 =	simm.s32 $0x2  }
0x7: {  	[tilespmem:s2], [sflag:$0x2] =	stream.linear.gather [hbm4b:s4+s2], $0x400, $0x38;
	[tilespmem:$0x4600] =	vst v63  }
0x8: {  	s5 =	sshll.u32 s15, $0x6;
	_ =	swait.ge [sflag:s3], $0x400  }
0x9: {  	s5 =	sadd.s32 s5, s14;
	[sflag:s3] =	ssyncset.done $0x0  }
0xa: {  	s6 =	simm.s32 $0x2400;
	s5 =	sadd.s32 $0x2F400, s5;
	[sflag:s3] =	ssyncadd.s32 $0xFFFFFC00  }
0xb: {  	[tilespmem:s6], [sflag:$0x2] =	stream.linear.gather [hbm4b:s5+s2], $0x200, $0x38;
	[tilespmem:$0x4600] =	vst v63  }
0xc: {  	_ =	swait.ge [sflag:s3], $0x200  }
0xd: {  	s9 =	simm.s32 $0x400;
	[sflag:s3] =	ssyncset.done $0x0  }
0xe: {  	s10 =	simm.s32 $0x200;
	s7 =	sadd.s32 $0x2200, s14;
	[sflag:s3] =	ssyncadd.s32 $0xFFFFFE00  }
0xf: {  	[tilespmem:s9], [sflag:$0x1] =	stream.indirect.gather [hbm4b:s7+s9], $0x8, s2, s9, $0xb8;
	[tilespmem:$0x4600] =	vst v63  }
0x10: {  	s11 =	simm.s32 $0x2600;
	s12 =	simm.s32 $0x1;
	s8 =	sadd.s32 $0x1AA00, s14  }
0x11: {  	[tilespmem:s11], [sflag:$0x1] =	stream.indirect.gather [hbm4b:s8+s10], $0x10, s6, s10, $0xb8;
	[tilespmem:$0x4600] =	vst v63  }
0x12: {  	_ =	swait.ge [sflag:s12], $0x2000  }
0x13: {  	[sflag:s12] =	ssyncset.done $0x0  }
0x14: {  	s31 =	ssub.s32 $0x2, s13;
	[sflag:s12] =	ssyncadd.s32 $0xFFFFE000  }
0x15: {  	s15 =	sshll.u32 s15, $0xA;
	s16 =	sshrl.u32 s31, $0x1;
	_ =	swait.ge [sflag:s12], $0x2000  }
0x16: {  	s14 =	sadd.s32 s15, s14;
	s15 =	ssub.s32 s31, s16;
	[sflag:s12] =	ssyncset.done $0x0  }
0x17: {  	s13 =	sadd.s32 $0x37C00, s14;
	s15 =	smax.u32 s15, $0x1;
	[sflag:s12] =	ssyncadd.s32 $0xFFFFE000  }
0x18: {  	[hbm4b:s13+s2] =	stream.linear.scatter [tilespmem:s9], [sflag:$0x2], $0x2000, $0x38;
	[tilespmem:$0x4600] =	vst v63  }
0x19: {  	p0 =	sne.s32 s15, $0x1;
	_ =	swait.ge [sflag:s3], $0x2000  }
.Ltmp0:
0x1a: {  	[sflag:s3] =	ssyncset.done $0x0;
	(pc) =	sbr.rel @!p0 .LBB2_2-.Ltmp0, $4  }
0x1b: {  	s14 =	sadd.s32 $0x2FC00, s14;
	[sflag:s3] =	ssyncadd.s32 $0xFFFFE000  }
0x1c: {  	[hbm4b:s14+s2] =	stream.linear.scatter [tilespmem:s11], [sflag:$0x2], $0x2000, $0x38;
	[tilespmem:$0x4600] =	vst v63  }
0x1d: {  	_ =	swait.ge [sflag:s3], $0x2000  }
0x1e: {  	s15 =	sadd.s32 $0xFFFFFFFF, s15;
	[sflag:s3] =	ssyncset.done $0x0  }
.LBB2_1:
0x1f: {  	p0 =	sne.s32 s15, $0x1;
	s15 =	sadd.s32 $0xFFFFFFFF, s15;
	[sflag:s3] =	ssyncadd.s32 $0xFFFFE000  }
0x20: {  	[tilespmem:s2], [sflag:$0x2] =	stream.linear.gather [hbm4b:s4+s2], $0x400, $0x38;
	[tilespmem:$0x4600] =	vst v63  }
0x21: {  	_ =	swait.ge [sflag:s3], $0x400  }
0x22: {  	[sflag:s3] =	ssyncset.done $0x0  }
0x23: {  	[sflag:s3] =	ssyncadd.s32 $0xFFFFFC00  }
0x24: {  	[tilespmem:s6], [sflag:$0x2] =	stream.linear.gather [hbm4b:s5+s2], $0x200, $0x38;
	[tilespmem:$0x4600] =	vst v63  }
0x25: {  	_ =	swait.ge [sflag:s3], $0x200  }
0x26: {  	[sflag:s3] =	ssyncset.done $0x0  }
0x27: {  	[sflag:s3] =	ssyncadd.s32 $0xFFFFFE00  }
0x28: {  	[tilespmem:s9], [sflag:$0x1] =	stream.indirect.gather [hbm4b:s7+s9], $0x8, s2, s9, $0xb8;
	[tilespmem:$0x4600] =	vst v63  }
0x29: {  	_ = 	snop  }
0x2a: {  	[tilespmem:s11], [sflag:$0x1] =	stream.indirect.gather [hbm4b:s8+s10], $0x10, s6, s10, $0xb8;
	[tilespmem:$0x4600] =	vst v63  }
0x2b: {  	_ =	swait.ge [sflag:s12], $0x2000  }
0x2c: {  	[sflag:s12] =	ssyncset.done $0x0  }
0x2d: {  	[sflag:s12] =	ssyncadd.s32 $0xFFFFE000  }
0x2e: {  	_ =	swait.ge [sflag:s12], $0x2000  }
0x2f: {  	[sflag:s12] =	ssyncset.done $0x0  }
0x30: {  	[sflag:s12] =	ssyncadd.s32 $0xFFFFE000  }
0x31: {  	[hbm4b:s13+s2] =	stream.linear.scatter [tilespmem:s9], [sflag:$0x2], $0x2000, $0x38;
	[tilespmem:$0x4600] =	vst v63  }
0x32: {  	_ =	swait.ge [sflag:s3], $0x2000  }
.Ltmp1:
0x33: {  	[sflag:s3] =	ssyncset.done $0x0;
	(pc) =	sbr.rel @p0 .LBB2_1-.Ltmp1, $4  }
0x34: {  	[sflag:s3] =	ssyncadd.s32 $0xFFFFE000  }
0x35: {  	[hbm4b:s14+s2] =	stream.linear.scatter [tilespmem:s11], [sflag:$0x2], $0x2000, $0x38;
	[tilespmem:$0x4600] =	vst v63  }
0x36: {  	_ =	swait.ge [sflag:s3], $0x2000  }
0x37: {  	[sflag:s3] =	ssyncset.done $0x0  }
.LBB2_2:
0x38: {  	[sflag:s3] =	ssyncadd.s32 $0xFFFFE000  }
0x39: {  	_ =	sfence.sel $0x180000  }
0x3a: {  	[bflag:$0x0] =	sbarrier.arrive $0xFFFF  }
0x3b: {  	p0 =	sne.s32 s0, $0x0;
	_ =	strace $0x90000047  }
0x3c: {  	s0 =	sadd.s32 @!p0 $0x100000, s1;
	[bflag:$0x2] =	sbarrier.arrive $0xFFFF  }
0x3d: {  	[sflag:s0] =	ssyncadd.tile.s32 @!p0 $0x1;
	_ =	shalt  }
.Lfunc_end2:
_tile_overlayer_lowered:
.L_overlay_start_2:
0x3e: {  	(tag) =	ssettag $0x2  }
0x3f: {  	s0 =	rddreg [dreg:$0x0];
	s2 =	stileid.u32  }
0x40: {  	s1 =	rddreg [dreg:$0x1];
	p0 =	sne.s32 s2, $0x0  }
0x41: {  	s3 =	rddreg [dreg:$0x2];
	[bflag:$0x3] =	sbarrier.arrive $0xFFFF;
	s2 =	simm.s32 @!p0 $0x1C02  }
0x42: {  	[timem:s3], [sflag:s2] =	dma.local @!p0 [hbm:s0], s1  }
0x43: {  	s0 =	simm.s32 @!p0 $0x2  }
0x44: {  	_ =	swait.ge @!p0 [sflag:s0], s1  }
0x45: {  	s1 =	ssub.s32 @!p0 $0x0, s1;
	[sflag:s0] =	ssyncset.done @!p0 $0x0  }
0x46: {  	[sflag:s0] =	ssyncadd.s32 @!p0 s1  }
0x47: {  	[bflag:$0x3] =	sbarrier.arrive $0xFFFF  }
0x48: {  	_ =	shalt  }

</sc_bundles>
